<compile_context>
chip_gen: v7x
topology: tpu7x:2x2x1
jax: 0.10.2.dev20260603
libtpu: 0.0.44.dev20260713+nightly
codegen_flags: <defaults>
</compile_context>

<pallas_src>
import functools

import jax
import jax.numpy as jnp
from jax import lax
from jax.experimental import pallas as pl
from jax.experimental.pallas import tpu as pltpu
from jax.experimental.pallas import tpu_sc as plsc

F32 = jnp.float32

_N = 10000
_E = 320000
_D_IN = 128
_HID = 256
_HALF = 128
_OUT = 128
_L = 8
_CHUNK = 64

_NTILE = 16
_NPAD = 10240
_RPT = 640
_EP = 327680
_IDXROWS = _EP // 128
_ROWS_PER_TILE = _IDXROWS // _NTILE

_IG = 16

_BN = 400
_GRID = _N // _BN

def _mesh():
    return plsc.VectorSubcoreMesh(core_axis_name="c", subcore_axis_name="s",
                                  num_cores=2, num_subcores=_NTILE)




def _sc_agg_body(h2_hbm, src_hbm, dst_hbm, out_hbm, srcI, dstI, rows0, rows1,
                 acc, semg0, semg1, sems0, sems1):
    c = lax.axis_index("c")
    s = lax.axis_index("s")
    zero = jnp.zeros((16,), F32)

    @pl.loop(0, 128)
    def _z(i):
        for j in range(8):
            rows0[i, pl.ds(j * 16, 16)] = zero

    rbase = s * _RPT
    for j in range(_RPT // 128):
        pltpu.sync_copy(rows0, acc.at[pl.ds(rbase + j * 128, 128)])

    plsc.subcore_barrier()

    off = c * _N
    ib = s * _ROWS_PER_TILE
    bufs = (rows0, rows1)
    gsems = (semg0, semg1)
    ssems = (sems0, sems1)

    @pl.loop(0, _ROWS_PER_TILE // _IG)
    def _g(g):
        pltpu.sync_copy(src_hbm.at[pl.ds(ib + g * _IG, _IG)], srcI)
        pltpu.sync_copy(dst_hbm.at[pl.ds(ib + g * _IG, _IG)], dstI)

        @pl.loop(0, _IG)
        def _o(i):
            for j in range(8):
                srcI[i, pl.ds(j * 16, 16)] = srcI[i, pl.ds(j * 16, 16)] + off

        scat = [None, None]
        gh = pltpu.async_copy(h2_hbm.at[srcI.at[0]], bufs[0], gsems[0])
        for i in range(_IG):
            b = i % 2
            gh.wait()
            if i < _IG - 1:
                if scat[1 - b] is not None:
                    scat[1 - b].wait()
                gh = pltpu.async_copy(h2_hbm.at[srcI.at[i + 1]],
                                      bufs[1 - b], gsems[1 - b])
            scat[b] = pltpu.async_copy(bufs[b], acc.at[dstI.at[i]],
                                       ssems[b], add=True)
        scat[0].wait()
        scat[1].wait()

    plsc.subcore_barrier()
    pltpu.sync_copy(acc.at[pl.ds(rbase, _RPT)], out_hbm.at[c, pl.ds(rbase, _RPT)])


@jax.jit
def _sc_agg(h2, src3, dst3):
    run = pl.kernel(
        _sc_agg_body,
        out_type=jax.ShapeDtypeStruct((2, _NPAD, _HALF), F32),
        mesh=_mesh(),
        scratch_types=[
            pltpu.VMEM((_IG, 128), jnp.int32),
            pltpu.VMEM((_IG, 128), jnp.int32),
            pltpu.VMEM((128, _HALF), F32),
            pltpu.VMEM((128, _HALF), F32),
            pltpu.VMEM_SHARED((_NPAD, _HALF), F32),
            pltpu.SemaphoreType.DMA,
            pltpu.SemaphoreType.DMA,
            pltpu.SemaphoreType.DMA,
            pltpu.SemaphoreType.DMA,
        ],
    )
    return run(h2, src3, dst3)


def _sc_deg_body(dst_hbm, out_hbm, dstI, ones_rows, dloc, acc):
    c = lax.axis_index("c")
    s = lax.axis_index("s")
    zero = jnp.zeros((16,), F32)
    one = jnp.ones((16,), F32)

    @pl.loop(0, 128)
    def _z(i):
        for j in range(8):
            ones_rows[i, pl.ds(j * 16, 16)] = zero

    rbase = s * _RPT
    for j in range(_RPT // 128):
        pltpu.sync_copy(ones_rows, acc.at[pl.ds(rbase + j * 128, 128)])

    @pl.loop(0, 128)
    def _f(i):
        for j in range(8):
            ones_rows[i, pl.ds(j * 16, 16)] = one

    ib = s * _ROWS_PER_TILE
    plsc.subcore_barrier()

    @pl.loop(0, _ROWS_PER_TILE // _IG)
    def _g(g):
        pltpu.sync_copy(dst_hbm.at[pl.ds(ib + g * _IG, _IG)], dstI)
        for i in range(_IG):
            pltpu.sync_copy(ones_rows, acc.at[dstI.at[i]], add=True)

    plsc.subcore_barrier()

    @pl.when(c == 0)
    def _dump():
        @pl.loop(0, _RPT // 128)
        def _p(q):
            pltpu.sync_copy(acc.at[pl.ds(rbase + q * 128, 128)], dloc)

            @pl.loop(0, 128)
            def _d(r):
                for j in range(8):
                    dloc[r, pl.ds(j * 16, 16)] = 1.0 / (dloc[r, pl.ds(j * 16, 16)] + 1.0)

            pltpu.sync_copy(dloc, out_hbm.at[pl.ds(rbase + q * 128, 128)])


@jax.jit
def _sc_deg(dst3):
    run = pl.kernel(
        _sc_deg_body,
        out_type=jax.ShapeDtypeStruct((_NPAD, 128), F32),
        mesh=_mesh(),
        scratch_types=[
            pltpu.VMEM((_IG, 128), jnp.int32),
            pltpu.VMEM((128, 128), F32),
            pltpu.VMEM((128, 128), F32),
            pltpu.VMEM_SHARED((_NPAD, 128), F32),
        ],
    )
    return run(dst3)



_DOT = functools.partial(jnp.dot, preferred_element_type=F32,
                         precision=lax.Precision.HIGHEST)


def _tc_in_body(x_ref, w_ref, b_ref, hc_ref):
    h = jnp.maximum(_DOT(x_ref[...], w_ref[...]) + b_ref[...], 0.0)
    hc_ref[0] = h[:, :_HALF]
    hc_ref[1] = h[:, _HALF:]


def _tc_layer_body(hc_ref, msg_ref, dinv_ref, sig_ref, w_ref, b_ref, g_ref,
                   bb_ref, hco_ref, sigo_ref):
    h = jnp.concatenate([hc_ref[0], hc_ref[1]], axis=1)
    mr = jnp.concatenate([msg_ref[0], msg_ref[1]], axis=1)
    dinv = dinv_ref[...][:, :1]
    m = (mr + h) * dinv
    w = w_ref[...]
    logits = _DOT(h, w[:_HID]) + _DOT(m, w[_HID:]) + b_ref[...]
    z = logits - jnp.max(logits, axis=1, keepdims=True)
    e = jnp.exp(z)
    p = e / jnp.sum(e, axis=1, keepdims=True)
    r64 = lax.broadcasted_iota(jnp.int32, (_CHUNK, _CHUNK), 0)
    c64 = lax.broadcasted_iota(jnp.int32, (_CHUNK, _CHUNK), 1)
    tril = (r64 <= c64).astype(F32)
    cum = _DOT(p, tril)
    sig = sig_ref[...]
    raw = sig + (1.0 - sig) * cum
    r2 = lax.broadcasted_iota(jnp.int32, (_CHUNK, _HID), 0)
    c2 = lax.broadcasted_iota(jnp.int32, (_CHUNK, _HID), 1)
    repm = (r2 == c2 // (_HID // _CHUNK)).astype(F32)
    sigf = _DOT(raw, repm)
    out = h * sigf + m * (1.0 - sigf)
    mu = jnp.mean(out, axis=1, keepdims=True)
    var = jnp.mean((out - mu) ** 2, axis=1, keepdims=True)
    hn = (out - mu) * lax.rsqrt(var + 1e-5) * g_ref[...] + bb_ref[...]
    hco_ref[0] = hn[:, :_HALF]
    hco_ref[1] = hn[:, _HALF:]
    sigo_ref[...] = raw


def _tc_out_body(hc_ref, w_ref, b_ref, o_ref):
    h = jnp.concatenate([hc_ref[0], hc_ref[1]], axis=1)
    o_ref[...] = _DOT(h, w_ref[...]) + b_ref[...]


def _tc_input(x, W_in, b_in):
    return pl.pallas_call(
        _tc_in_body,
        grid=(_GRID,),
        in_specs=[
            pl.BlockSpec((_BN, _D_IN), lambda i: (i, 0)),
            pl.BlockSpec((_D_IN, _HID), lambda i: (0, 0)),
            pl.BlockSpec((1, _HID), lambda i: (0, 0)),
        ],
        out_specs=pl.BlockSpec((2, _BN, _HALF), lambda i: (0, i, 0)),
        out_shape=jax.ShapeDtypeStruct((2, _N, _HALF), F32),
    )(x, W_in, b_in)


def _tc_layer(hc, msg, dinv, sig, wl, bl, gl, bbl):
    return pl.pallas_call(
        _tc_layer_body,
        grid=(_GRID,),
        in_specs=[
            pl.BlockSpec((2, _BN, _HALF), lambda i: (0, i, 0)),
            pl.BlockSpec((2, _BN, _HALF), lambda i: (0, i, 0)),
            pl.BlockSpec((_BN, 128), lambda i: (i, 0)),
            pl.BlockSpec((_BN, _CHUNK), lambda i: (i, 0)),
            pl.BlockSpec((2 * _HID, _CHUNK), lambda i: (0, 0)),
            pl.BlockSpec((1, _CHUNK), lambda i: (0, 0)),
            pl.BlockSpec((1, _HID), lambda i: (0, 0)),
            pl.BlockSpec((1, _HID), lambda i: (0, 0)),
        ],
        out_specs=[
            pl.BlockSpec((2, _BN, _HALF), lambda i: (0, i, 0)),
            pl.BlockSpec((_BN, _CHUNK), lambda i: (i, 0)),
        ],
        out_shape=[
            jax.ShapeDtypeStruct((2, _N, _HALF), F32),
            jax.ShapeDtypeStruct((_N, _CHUNK), F32),
        ],
    )(hc, msg, dinv, sig, wl, bl, gl, bbl)


def _tc_output(hc, W_out, b_out):
    return pl.pallas_call(
        _tc_out_body,
        grid=(_GRID,),
        in_specs=[
            pl.BlockSpec((2, _BN, _HALF), lambda i: (0, i, 0)),
            pl.BlockSpec((_HID, _OUT), lambda i: (0, 0)),
            pl.BlockSpec((1, _OUT), lambda i: (0, 0)),
        ],
        out_specs=pl.BlockSpec((_BN, _OUT), lambda i: (i, 0)),
        out_shape=jax.ShapeDtypeStruct((_N, _OUT), F32),
    )(hc, W_out, b_out)




def kernel(x, edge_index, W_in, b_in, tm_W, tm_b, ln_g, ln_b, W_out, b_out):
    pad = _EP - _E
    srcp = jnp.concatenate([edge_index[0], jnp.zeros((pad,), jnp.int32)])
    dstp = jnp.concatenate([edge_index[1], jnp.full((pad,), _N, jnp.int32)])
    src3 = srcp.reshape(_IDXROWS, 128)
    dst3 = dstp.reshape(_IDXROWS, 128)

    hc = _tc_input(x, W_in, b_in.reshape(1, _HID))
    dinv = _sc_deg(dst3)
    sig = jnp.zeros((_N, _CHUNK), F32)
    for l in range(_L):
        msg = _sc_agg(hc.reshape(2 * _N, _HALF), src3, dst3)
        hc, sig = _tc_layer(hc, msg, dinv, sig, tm_W[l],
                            tm_b[l].reshape(1, _CHUNK),
                            ln_g[l].reshape(1, _HID), ln_b[l].reshape(1, _HID))
    return _tc_output(hc, W_out, b_out.reshape(1, _OUT))

# --- scband reference (transcript-rebuilt; emitter-appended) ---
"""Pipeline reference for scband-ordered-gnn-57097295233444 (READ-ONLY COPY).

The authoritative reference and input builder live on the scoring server;
editing this copy changes nothing except your own understanding.
"""

import jax, jax.numpy as jnp
import numpy as np

N = 10000
E = 320000
D_IN = 128
HID = 256
OUT = 128
L = 8
CHUNK = 64
REP = HID // CHUNK


def setup_inputs(seed: int = 0):
    key = jax.random.key(seed)
    ks = jax.random.split(key, 8)
    x = jax.random.normal(ks[0], (N, D_IN), dtype=jnp.float32)
    edge_index = jax.random.randint(ks[1], (2, E), 0, N, dtype=jnp.int32)
    s1 = 1.0 / np.sqrt(D_IN)
    W_in = jax.random.uniform(ks[2], (D_IN, HID), minval=-s1, maxval=s1, dtype=jnp.float32)
    b_in = jnp.zeros((HID,), dtype=jnp.float32)
    s2 = 1.0 / np.sqrt(2 * HID)
    tm_W = jax.random.uniform(ks[3], (L, 2 * HID, CHUNK), minval=-s2, maxval=s2, dtype=jnp.float32)
    tm_b = jnp.zeros((L, CHUNK), dtype=jnp.float32)
    ln_g = jnp.ones((L, HID), dtype=jnp.float32)
    ln_b = jnp.zeros((L, HID), dtype=jnp.float32)
    s3 = 1.0 / np.sqrt(HID)
    W_out = jax.random.uniform(ks[4], (HID, OUT), minval=-s3, maxval=s3, dtype=jnp.float32)
    b_out = jnp.zeros((OUT,), dtype=jnp.float32)
    return {"x": x, "edge_index": edge_index, "W_in": W_in, "b_in": b_in,
            "tm_W": tm_W, "tm_b": tm_b, "ln_g": ln_g, "ln_b": ln_b,
            "W_out": W_out, "b_out": b_out}


def _forward(x, W_in, b_in, tm_W, tm_b, ln_g, ln_b, W_out, b_out, src, dst, deg_inv):
    # input transform
    h = jax.nn.relu(x @ W_in + b_in)
    tm_signal = jnp.zeros((x.shape[0], CHUNK), dtype=x.dtype)
    for l in range(L):
        # mean aggregation (propagate with aggr='mean', with self loops)
        msg = jax.ops.segment_sum(h[src], dst, num_segments=N) * deg_inv[:, None]
        # ordered gating: softmax -> cumsum -> diff_or combine with last signal
        logits = jnp.concatenate([h, msg], axis=1) @ tm_W[l] + tm_b[l]
        raw = jax.nn.softmax(logits, axis=-1)
        raw = jnp.cumsum(raw, axis=-1)
        raw = tm_signal + (1.0 - tm_signal) * raw
        sig = jnp.repeat(raw, REP, axis=1)
        out = h * sig + msg * (1.0 - sig)
        # LayerNorm (tm_norm)
        mu = jnp.mean(out, axis=-1, keepdims=True)
        var = jnp.var(out, axis=-1, keepdims=True)
        h = (out - mu) / jnp.sqrt(var + 1e-5) * ln_g[l] + ln_b[l]
        tm_signal = raw
    return h @ W_out + b_out


def reference(x, edge_index, W_in, b_in, tm_W, tm_b, ln_g, ln_b, W_out, b_out):
    loop = jnp.arange(N, dtype=edge_index.dtype)
    src = jnp.concatenate([edge_index[0], loop])
    dst = jnp.concatenate([edge_index[1], loop])
    deg = jax.ops.segment_sum(jnp.ones_like(dst, dtype=jnp.float32), dst, num_segments=N)
    deg_inv = 1.0 / jnp.maximum(deg, 1.0)
    return _forward(x, W_in, b_in, tm_W, tm_b, ln_g, ln_b, W_out, b_out, src, dst, deg_inv)

if __name__ == "__main__":
    import jax
    _d = setup_inputs()
    print(jax.jit(kernel)(*tuple(_d.values())))

</pallas_src>

<mosaic_0001>
#map = affine_map<(d0, d1) -> (0, 0)>
module attributes {stable_mosaic.version = 14 : i64} {
  func.func @_sc_deg_body(%arg0: i32, %arg1: i32, %arg2: memref<2560x128xi32, #tpu.memory_space<hbm>>, %arg3: memref<10240x128xf32, #tpu.memory_space<hbm>>, %arg4: memref<16x128xi32, #tpu.memory_space<vmem>>, %arg5: memref<128x128xf32, #tpu.memory_space<vmem>>, %arg6: memref<128x128xf32, #tpu.memory_space<vmem>>, %arg7: memref<10240x128xf32, #tpu.memory_space<vmem_shared>>) attributes {dimension_semantics = [#tpu.dimension_semantics<core_parallel>, #tpu.dimension_semantics<subcore_parallel>], iteration_bounds = array<i64: 2, 16>, scalar_prefetch = 0 : i64, scratch_operands = 4 : i64, tpu.core_type = #tpu.core_type<sc_vector_subcore>, window_params = [{transform_indices = #map}, {transform_indices = #map}]} {
    %broadcast_in_dim3A = arith.constant 0.000000e+00 : f32
    %broadcast_in_dim3A_0 = vector.broadcast %broadcast_in_dim3A : f32 to vector<16xf32>
    %broadcast_in_dim3A_1 = arith.constant 1.000000e+00 : f32
    %broadcast_in_dim3A_2 = vector.broadcast %broadcast_in_dim3A_1 : f32 to vector<16xf32>
    %scan3A = arith.constant 0 : i32
    %scan3A_3 = arith.constant 128 : i32
    %scan3A_4 = arith.addi %scan3A, %scan3A_3 : i32
    %scan3A_5 = arith.constant 1 : i32
    scf.for %scan3A_32 = %scan3A to %scan3A_4 step %scan3A_5  : i32 {
      %mul3A_33 = arith.constant 1 : i32
      %mul3A_34 = arith.muli %scan3A_32, %mul3A_33 : i32
      %add3A_35 = arith.constant 0 : i32
      %add3A_36 = arith.addi %add3A_35, %mul3A_34 : i32
      %swap3A = arith.index_cast %add3A_36 : i32 to index
      %swap3A_37 = arith.constant 0 : index
      %swap3A_38 = tpu.vector_load %arg5[%swap3A, %swap3A_37] {strides = array<i32>} : memref<128x128xf32, #tpu.memory_space<vmem>>, vector<1x16xf32>,
      %swap3A_39 = vector.shape_cast %swap3A_38 : vector<1x16xf32> to vector<16xf32>
      %swap3A_40 = vector.shape_cast %broadcast_in_dim3A_0 : vector<16xf32> to vector<1x16xf32>
      tpu.vector_store %arg5[%swap3A, %swap3A_37], %swap3A_40 {strides = array<i32>} : memref<128x128xf32, #tpu.memory_space<vmem>>, vector<1x16xf32>,
      %swap3A_41 = arith.index_cast %add3A_36 : i32 to index
      %swap3A_42 = arith.constant 16 : index
      %swap3A_43 = tpu.vector_load %arg5[%swap3A_41, %swap3A_42] {strides = array<i32>} : memref<128x128xf32, #tpu.memory_space<vmem>>, vector<1x16xf32>,
      %swap3A_44 = vector.shape_cast %swap3A_43 : vector<1x16xf32> to vector<16xf32>
      %swap3A_45 = vector.shape_cast %broadcast_in_dim3A_0 : vector<16xf32> to vector<1x16xf32>
      tpu.vector_store %arg5[%swap3A_41, %swap3A_42], %swap3A_45 {strides = array<i32>} : memref<128x128xf32, #tpu.memory_space<vmem>>, vector<1x16xf32>,
      %swap3A_46 = arith.index_cast %add3A_36 : i32 to index
      %swap3A_47 = arith.constant 32 : index
      %swap3A_48 = tpu.vector_load %arg5[%swap3A_46, %swap3A_47] {strides = array<i32>} : memref<128x128xf32, #tpu.memory_space<vmem>>, vector<1x16xf32>,
      %swap3A_49 = vector.shape_cast %swap3A_48 : vector<1x16xf32> to vector<16xf32>
      %swap3A_50 = vector.shape_cast %broadcast_in_dim3A_0 : vector<16xf32> to vector<1x16xf32>
      tpu.vector_store %arg5[%swap3A_46, %swap3A_47], %swap3A_50 {strides = array<i32>} : memref<128x128xf32, #tpu.memory_space<vmem>>, vector<1x16xf32>,
      %swap3A_51 = arith.index_cast %add3A_36 : i32 to index
      %swap3A_52 = arith.constant 48 : index
      %swap3A_53 = tpu.vector_load %arg5[%swap3A_51, %swap3A_52] {strides = array<i32>} : memref<128x128xf32, #tpu.memory_space<vmem>>, vector<1x16xf32>,
      %swap3A_54 = vector.shape_cast %swap3A_53 : vector<1x16xf32> to vector<16xf32>
      %swap3A_55 = vector.shape_cast %broadcast_in_dim3A_0 : vector<16xf32> to vector<1x16xf32>
      tpu.vector_store %arg5[%swap3A_51, %swap3A_52], %swap3A_55 {strides = array<i32>} : memref<128x128xf32, #tpu.memory_space<vmem>>, vector<1x16xf32>,
      %swap3A_56 = arith.index_cast %add3A_36 : i32 to index
      %swap3A_57 = arith.constant 64 : index
      %swap3A_58 = tpu.vector_load %arg5[%swap3A_56, %swap3A_57] {strides = array<i32>} : memref<128x128xf32, #tpu.memory_space<vmem>>, vector<1x16xf32>,
      %swap3A_59 = vector.shape_cast %swap3A_58 : vector<1x16xf32> to vector<16xf32>
      %swap3A_60 = vector.shape_cast %broadcast_in_dim3A_0 : vector<16xf32> to vector<1x16xf32>
      tpu.vector_store %arg5[%swap3A_56, %swap3A_57], %swap3A_60 {strides = array<i32>} : memref<128x128xf32, #tpu.memory_space<vmem>>, vector<1x16xf32>,
      %swap3A_61 = arith.index_cast %add3A_36 : i32 to index
      %swap3A_62 = arith.constant 80 : index
      %swap3A_63 = tpu.vector_load %arg5[%swap3A_61, %swap3A_62] {strides = array<i32>} : memref<128x128xf32, #tpu.memory_space<vmem>>, vector<1x16xf32>,
      %swap3A_64 = vector.shape_cast %swap3A_63 : vector<1x16xf32> to vector<16xf32>
      %swap3A_65 = vector.shape_cast %broadcast_in_dim3A_0 : vector<16xf32> to vector<1x16xf32>
      tpu.vector_store %arg5[%swap3A_61, %swap3A_62], %swap3A_65 {strides = array<i32>} : memref<128x128xf32, #tpu.memory_space<vmem>>, vector<1x16xf32>,
      %swap3A_66 = arith.index_cast %add3A_36 : i32 to index
      %swap3A_67 = arith.constant 96 : index
      %swap3A_68 = tpu.vector_load %arg5[%swap3A_66, %swap3A_67] {strides = array<i32>} : memref<128x128xf32, #tpu.memory_space<vmem>>, vector<1x16xf32>,
      %swap3A_69 = vector.shape_cast %swap3A_68 : vector<1x16xf32> to vector<16xf32>
      %swap3A_70 = vector.shape_cast %broadcast_in_dim3A_0 : vector<16xf32> to vector<1x16xf32>
      tpu.vector_store %arg5[%swap3A_66, %swap3A_67], %swap3A_70 {strides = array<i32>} : memref<128x128xf32, #tpu.memory_space<vmem>>, vector<1x16xf32>,
      %swap3A_71 = arith.index_cast %add3A_36 : i32 to index
      %swap3A_72 = arith.constant 112 : index
      %swap3A_73 = tpu.vector_load %arg5[%swap3A_71, %swap3A_72] {strides = array<i32>} : memref<128x128xf32, #tpu.memory_space<vmem>>, vector<1x16xf32>,
      %swap3A_74 = vector.shape_cast %swap3A_73 : vector<1x16xf32> to vector<16xf32>
      %swap3A_75 = vector.shape_cast %broadcast_in_dim3A_0 : vector<16xf32> to vector<1x16xf32>
      tpu.vector_store %arg5[%swap3A_71, %swap3A_72], %swap3A_75 {strides = array<i32>} : memref<128x128xf32, #tpu.memory_space<vmem>>, vector<1x16xf32>,
    }
    %scan3A_6 = arith.constant 128 : i32
    %mul3A = arith.constant 640 : i32
    %mul3A_7 = arith.muli %arg1, %mul3A : i32
    %add3A = arith.constant 0 : i32
    %add3A_8 = arith.addi %mul3A_7, %add3A : i32
    "tpu.region"() ({
      %run_scoped3A = tpu.sem_alloc : memref<!tpu.dma_semaphore, #tpu.memory_space<semaphore_mem>>
      %dma_start3A = arith.constant 0 : i32
      %dma_start3A_32 = tpu.memref_slice %arg7[%add3A_8, %dma_start3A] : memref<10240x128xf32, #tpu.memory_space<vmem_shared>> -> memref<128x128xf32, #tpu.memory_space<vmem_shared>>
      %dma_start3A_33 = arith.constant 0 : i32
      %dma_start3A_34 = tpu.memref_slice %arg7[%add3A_8, %dma_start3A_33] : memref<10240x128xf32, #tpu.memory_space<vmem_shared>> -> memref<128x128xf32, #tpu.memory_space<vmem_shared>>
      tpu.enqueue_dma source(%arg5 : memref<128x128xf32, #tpu.memory_space<vmem>>) target(%dma_start3A_34 : memref<128x128xf32, #tpu.memory_space<vmem_shared>>) target_semaphore(%run_scoped3A : memref<!tpu.dma_semaphore, #tpu.memory_space<semaphore_mem>>)
      %dma_wait3A = arith.constant 0 : i32
      %dma_wait3A_35 = tpu.memref_slice %arg7[%add3A_8, %dma_wait3A] : memref<10240x128xf32, #tpu.memory_space<vmem_shared>> -> memref<128x128xf32, #tpu.memory_space<vmem_shared>>
      %dma_wait3A_36 = arith.constant 0 : i32
      %dma_wait3A_37 = tpu.memref_slice %arg7[%add3A_8, %dma_wait3A_36] : memref<10240x128xf32, #tpu.memory_space<vmem_shared>> -> memref<128x128xf32, #tpu.memory_space<vmem_shared>>
      tpu.wait_dma2 semaphore(%run_scoped3A : memref<!tpu.dma_semaphore, #tpu.memory_space<semaphore_mem>>) src(%arg5 : memref<128x128xf32, #tpu.memory_space<vmem>>) dst(%dma_wait3A_37 : memref<128x128xf32, #tpu.memory_space<vmem_shared>>)
      tpu.yield
    }) : () -> ()
    %add3A_9 = arith.constant 128 : i32
    %add3A_10 = arith.addi %mul3A_7, %add3A_9 : i32
    "tpu.region"() ({
      %run_scoped3A = tpu.sem_alloc : memref<!tpu.dma_semaphore, #tpu.memory_space<semaphore_mem>>
      %dma_start3A = arith.constant 0 : i32
      %dma_start3A_32 = tpu.memref_slice %arg7[%add3A_10, %dma_start3A] : memref<10240x128xf32, #tpu.memory_space<vmem_shared>> -> memref<128x128xf32, #tpu.memory_space<vmem_shared>>
      %dma_start3A_33 = arith.constant 0 : i32
      %dma_start3A_34 = tpu.memref_slice %arg7[%add3A_10, %dma_start3A_33] : memref<10240x128xf32, #tpu.memory_space<vmem_shared>> -> memref<128x128xf32, #tpu.memory_space<vmem_shared>>
      tpu.enqueue_dma source(%arg5 : memref<128x128xf32, #tpu.memory_space<vmem>>) target(%dma_start3A_34 : memref<128x128xf32, #tpu.memory_space<vmem_shared>>) target_semaphore(%run_scoped3A : memref<!tpu.dma_semaphore, #tpu.memory_space<semaphore_mem>>)
      %dma_wait3A = arith.constant 0 : i32
      %dma_wait3A_35 = tpu.memref_slice %arg7[%add3A_10, %dma_wait3A] : memref<10240x128xf32, #tpu.memory_space<vmem_shared>> -> memref<128x128xf32, #tpu.memory_space<vmem_shared>>
      %dma_wait3A_36 = arith.constant 0 : i32
      %dma_wait3A_37 = tpu.memref_slice %arg7[%add3A_10, %dma_wait3A_36] : memref<10240x128xf32, #tpu.memory_space<vmem_shared>> -> memref<128x128xf32, #tpu.memory_space<vmem_shared>>
      tpu.wait_dma2 semaphore(%run_scoped3A : memref<!tpu.dma_semaphore, #tpu.memory_space<semaphore_mem>>) src(%arg5 : memref<128x128xf32, #tpu.memory_space<vmem>>) dst(%dma_wait3A_37 : memref<128x128xf32, #tpu.memory_space<vmem_shared>>)
      tpu.yield
    }) : () -> ()
    %add3A_11 = arith.constant 256 : i32
    %add3A_12 = arith.addi %mul3A_7, %add3A_11 : i32
    "tpu.region"() ({
      %run_scoped3A = tpu.sem_alloc : memref<!tpu.dma_semaphore, #tpu.memory_space<semaphore_mem>>
      %dma_start3A = arith.constant 0 : i32
      %dma_start3A_32 = tpu.memref_slice %arg7[%add3A_12, %dma_start3A] : memref<10240x128xf32, #tpu.memory_space<vmem_shared>> -> memref<128x128xf32, #tpu.memory_space<vmem_shared>>
      %dma_start3A_33 = arith.constant 0 : i32
      %dma_start3A_34 = tpu.memref_slice %arg7[%add3A_12, %dma_start3A_33] : memref<10240x128xf32, #tpu.memory_space<vmem_shared>> -> memref<128x128xf32, #tpu.memory_space<vmem_shared>>
      tpu.enqueue_dma source(%arg5 : memref<128x128xf32, #tpu.memory_space<vmem>>) target(%dma_start3A_34 : memref<128x128xf32, #tpu.memory_space<vmem_shared>>) target_semaphore(%run_scoped3A : memref<!tpu.dma_semaphore, #tpu.memory_space<semaphore_mem>>)
      %dma_wait3A = arith.constant 0 : i32
      %dma_wait3A_35 = tpu.memref_slice %arg7[%add3A_12, %dma_wait3A] : memref<10240x128xf32, #tpu.memory_space<vmem_shared>> -> memref<128x128xf32, #tpu.memory_space<vmem_shared>>
      %dma_wait3A_36 = arith.constant 0 : i32
      %dma_wait3A_37 = tpu.memref_slice %arg7[%add3A_12, %dma_wait3A_36] : memref<10240x128xf32, #tpu.memory_space<vmem_shared>> -> memref<128x128xf32, #tpu.memory_space<vmem_shared>>
      tpu.wait_dma2 semaphore(%run_scoped3A : memref<!tpu.dma_semaphore, #tpu.memory_space<semaphore_mem>>) src(%arg5 : memref<128x128xf32, #tpu.memory_space<vmem>>) dst(%dma_wait3A_37 : memref<128x128xf32, #tpu.memory_space<vmem_shared>>)
      tpu.yield
    }) : () -> ()
    %add3A_13 = arith.constant 384 : i32
    %add3A_14 = arith.addi %mul3A_7, %add3A_13 : i32
    "tpu.region"() ({
      %run_scoped3A = tpu.sem_alloc : memref<!tpu.dma_semaphore, #tpu.memory_space<semaphore_mem>>
      %dma_start3A = arith.constant 0 : i32
      %dma_start3A_32 = tpu.memref_slice %arg7[%add3A_14, %dma_start3A] : memref<10240x128xf32, #tpu.memory_space<vmem_shared>> -> memref<128x128xf32, #tpu.memory_space<vmem_shared>>
      %dma_start3A_33 = arith.constant 0 : i32
      %dma_start3A_34 = tpu.memref_slice %arg7[%add3A_14, %dma_start3A_33] : memref<10240x128xf32, #tpu.memory_space<vmem_shared>> -> memref<128x128xf32, #tpu.memory_space<vmem_shared>>
      tpu.enqueue_dma source(%arg5 : memref<128x128xf32, #tpu.memory_space<vmem>>) target(%dma_start3A_34 : memref<128x128xf32, #tpu.memory_space<vmem_shared>>) target_semaphore(%run_scoped3A : memref<!tpu.dma_semaphore, #tpu.memory_space<semaphore_mem>>)
      %dma_wait3A = arith.constant 0 : i32
      %dma_wait3A_35 = tpu.memref_slice %arg7[%add3A_14, %dma_wait3A] : memref<10240x128xf32, #tpu.memory_space<vmem_shared>> -> memref<128x128xf32, #tpu.memory_space<vmem_shared>>
      %dma_wait3A_36 = arith.constant 0 : i32
      %dma_wait3A_37 = tpu.memref_slice %arg7[%add3A_14, %dma_wait3A_36] : memref<10240x128xf32, #tpu.memory_space<vmem_shared>> -> memref<128x128xf32, #tpu.memory_space<vmem_shared>>
      tpu.wait_dma2 semaphore(%run_scoped3A : memref<!tpu.dma_semaphore, #tpu.memory_space<semaphore_mem>>) src(%arg5 : memref<128x128xf32, #tpu.memory_space<vmem>>) dst(%dma_wait3A_37 : memref<128x128xf32, #tpu.memory_space<vmem_shared>>)
      tpu.yield
    }) : () -> ()
    %add3A_15 = arith.constant 512 : i32
    %add3A_16 = arith.addi %mul3A_7, %add3A_15 : i32
    "tpu.region"() ({
      %run_scoped3A = tpu.sem_alloc : memref<!tpu.dma_semaphore, #tpu.memory_space<semaphore_mem>>
      %dma_start3A = arith.constant 0 : i32
      %dma_start3A_32 = tpu.memref_slice %arg7[%add3A_16, %dma_start3A] : memref<10240x128xf32, #tpu.memory_space<vmem_shared>> -> memref<128x128xf32, #tpu.memory_space<vmem_shared>>
      %dma_start3A_33 = arith.constant 0 : i32
      %dma_start3A_34 = tpu.memref_slice %arg7[%add3A_16, %dma_start3A_33] : memref<10240x128xf32, #tpu.memory_space<vmem_shared>> -> memref<128x128xf32, #tpu.memory_space<vmem_shared>>
      tpu.enqueue_dma source(%arg5 : memref<128x128xf32, #tpu.memory_space<vmem>>) target(%dma_start3A_34 : memref<128x128xf32, #tpu.memory_space<vmem_shared>>) target_semaphore(%run_scoped3A : memref<!tpu.dma_semaphore, #tpu.memory_space<semaphore_mem>>)
      %dma_wait3A = arith.constant 0 : i32
      %dma_wait3A_35 = tpu.memref_slice %arg7[%add3A_16, %dma_wait3A] : memref<10240x128xf32, #tpu.memory_space<vmem_shared>> -> memref<128x128xf32, #tpu.memory_space<vmem_shared>>
      %dma_wait3A_36 = arith.constant 0 : i32
      %dma_wait3A_37 = tpu.memref_slice %arg7[%add3A_16, %dma_wait3A_36] : memref<10240x128xf32, #tpu.memory_space<vmem_shared>> -> memref<128x128xf32, #tpu.memory_space<vmem_shared>>
      tpu.wait_dma2 semaphore(%run_scoped3A : memref<!tpu.dma_semaphore, #tpu.memory_space<semaphore_mem>>) src(%arg5 : memref<128x128xf32, #tpu.memory_space<vmem>>) dst(%dma_wait3A_37 : memref<128x128xf32, #tpu.memory_space<vmem_shared>>)
      tpu.yield
    }) : () -> ()
    %scan3A_17 = arith.constant 0 : i32
    %scan3A_18 = arith.constant 128 : i32
    %scan3A_19 = arith.addi %scan3A_17, %scan3A_18 : i32
    %scan3A_20 = arith.constant 1 : i32
    scf.for %scan3A_32 = %scan3A_17 to %scan3A_19 step %scan3A_20  : i32 {
      %mul3A_33 = arith.constant 1 : i32
      %mul3A_34 = arith.muli %scan3A_32, %mul3A_33 : i32
      %add3A_35 = arith.constant 0 : i32
      %add3A_36 = arith.addi %add3A_35, %mul3A_34 : i32
      %swap3A = arith.index_cast %add3A_36 : i32 to index
      %swap3A_37 = arith.constant 0 : index
      %swap3A_38 = tpu.vector_load %arg5[%swap3A, %swap3A_37] {strides = array<i32>} : memref<128x128xf32, #tpu.memory_space<vmem>>, vector<1x16xf32>,
      %swap3A_39 = vector.shape_cast %swap3A_38 : vector<1x16xf32> to vector<16xf32>
      %swap3A_40 = vector.shape_cast %broadcast_in_dim3A_2 : vector<16xf32> to vector<1x16xf32>
      tpu.vector_store %arg5[%swap3A, %swap3A_37], %swap3A_40 {strides = array<i32>} : memref<128x128xf32, #tpu.memory_space<vmem>>, vector<1x16xf32>,
      %swap3A_41 = arith.index_cast %add3A_36 : i32 to index
      %swap3A_42 = arith.constant 16 : index
      %swap3A_43 = tpu.vector_load %arg5[%swap3A_41, %swap3A_42] {strides = array<i32>} : memref<128x128xf32, #tpu.memory_space<vmem>>, vector<1x16xf32>,
      %swap3A_44 = vector.shape_cast %swap3A_43 : vector<1x16xf32> to vector<16xf32>
      %swap3A_45 = vector.shape_cast %broadcast_in_dim3A_2 : vector<16xf32> to vector<1x16xf32>
      tpu.vector_store %arg5[%swap3A_41, %swap3A_42], %swap3A_45 {strides = array<i32>} : memref<128x128xf32, #tpu.memory_space<vmem>>, vector<1x16xf32>,
      %swap3A_46 = arith.index_cast %add3A_36 : i32 to index
      %swap3A_47 = arith.constant 32 : index
      %swap3A_48 = tpu.vector_load %arg5[%swap3A_46, %swap3A_47] {strides = array<i32>} : memref<128x128xf32, #tpu.memory_space<vmem>>, vector<1x16xf32>,
      %swap3A_49 = vector.shape_cast %swap3A_48 : vector<1x16xf32> to vector<16xf32>
      %swap3A_50 = vector.shape_cast %broadcast_in_dim3A_2 : vector<16xf32> to vector<1x16xf32>
      tpu.vector_store %arg5[%swap3A_46, %swap3A_47], %swap3A_50 {strides = array<i32>} : memref<128x128xf32, #tpu.memory_space<vmem>>, vector<1x16xf32>,
      %swap3A_51 = arith.index_cast %add3A_36 : i32 to index
      %swap3A_52 = arith.constant 48 : index
      %swap3A_53 = tpu.vector_load %arg5[%swap3A_51, %swap3A_52] {strides = array<i32>} : memref<128x128xf32, #tpu.memory_space<vmem>>, vector<1x16xf32>,
      %swap3A_54 = vector.shape_cast %swap3A_53 : vector<1x16xf32> to vector<16xf32>
      %swap3A_55 = vector.shape_cast %broadcast_in_dim3A_2 : vector<16xf32> to vector<1x16xf32>
      tpu.vector_store %arg5[%swap3A_51, %swap3A_52], %swap3A_55 {strides = array<i32>} : memref<128x128xf32, #tpu.memory_space<vmem>>, vector<1x16xf32>,
      %swap3A_56 = arith.index_cast %add3A_36 : i32 to index
      %swap3A_57 = arith.constant 64 : index
      %swap3A_58 = tpu.vector_load %arg5[%swap3A_56, %swap3A_57] {strides = array<i32>} : memref<128x128xf32, #tpu.memory_space<vmem>>, vector<1x16xf32>,
      %swap3A_59 = vector.shape_cast %swap3A_58 : vector<1x16xf32> to vector<16xf32>
      %swap3A_60 = vector.shape_cast %broadcast_in_dim3A_2 : vector<16xf32> to vector<1x16xf32>
      tpu.vector_store %arg5[%swap3A_56, %swap3A_57], %swap3A_60 {strides = array<i32>} : memref<128x128xf32, #tpu.memory_space<vmem>>, vector<1x16xf32>,
      %swap3A_61 = arith.index_cast %add3A_36 : i32 to index
      %swap3A_62 = arith.constant 80 : index
      %swap3A_63 = tpu.vector_load %arg5[%swap3A_61, %swap3A_62] {strides = array<i32>} : memref<128x128xf32, #tpu.memory_space<vmem>>, vector<1x16xf32>,
      %swap3A_64 = vector.shape_cast %swap3A_63 : vector<1x16xf32> to vector<16xf32>
      %swap3A_65 = vector.shape_cast %broadcast_in_dim3A_2 : vector<16xf32> to vector<1x16xf32>
      tpu.vector_store %arg5[%swap3A_61, %swap3A_62], %swap3A_65 {strides = array<i32>} : memref<128x128xf32, #tpu.memory_space<vmem>>, vector<1x16xf32>,
      %swap3A_66 = arith.index_cast %add3A_36 : i32 to index
      %swap3A_67 = arith.constant 96 : index
      %swap3A_68 = tpu.vector_load %arg5[%swap3A_66, %swap3A_67] {strides = array<i32>} : memref<128x128xf32, #tpu.memory_space<vmem>>, vector<1x16xf32>,
      %swap3A_69 = vector.shape_cast %swap3A_68 : vector<1x16xf32> to vector<16xf32>
      %swap3A_70 = vector.shape_cast %broadcast_in_dim3A_2 : vector<16xf32> to vector<1x16xf32>
      tpu.vector_store %arg5[%swap3A_66, %swap3A_67], %swap3A_70 {strides = array<i32>} : memref<128x128xf32, #tpu.memory_space<vmem>>, vector<1x16xf32>,
      %swap3A_71 = arith.index_cast %add3A_36 : i32 to index
      %swap3A_72 = arith.constant 112 : index
      %swap3A_73 = tpu.vector_load %arg5[%swap3A_71, %swap3A_72] {strides = array<i32>} : memref<128x128xf32, #tpu.memory_space<vmem>>, vector<1x16xf32>,
      %swap3A_74 = vector.shape_cast %swap3A_73 : vector<1x16xf32> to vector<16xf32>
      %swap3A_75 = vector.shape_cast %broadcast_in_dim3A_2 : vector<16xf32> to vector<1x16xf32>
      tpu.vector_store %arg5[%swap3A_71, %swap3A_72], %swap3A_75 {strides = array<i32>} : memref<128x128xf32, #tpu.memory_space<vmem>>, vector<1x16xf32>,
    }
    %scan3A_21 = arith.constant 128 : i32
    %mul3A_22 = arith.constant 160 : i32
    %mul3A_23 = arith.muli %arg1, %mul3A_22 : i32
    %barrier3A = arith.constant 0 : index
    tpu.barrier barrier_id(%barrier3A)
    %scan3A_24 = arith.constant 0 : i32
    %scan3A_25 = arith.constant 10 : i32
    %scan3A_26 = arith.addi %scan3A_24, %scan3A_25 : i32
    %scan3A_27 = arith.constant 1 : i32
    scf.for %scan3A_32 = %scan3A_24 to %scan3A_26 step %scan3A_27  : i32 {
      %mul3A_33 = arith.constant 1 : i32
      %mul3A_34 = arith.muli %scan3A_32, %mul3A_33 : i32
      %add3A_35 = arith.constant 0 : i32
      %add3A_36 = arith.addi %add3A_35, %mul3A_34 : i32
      %mul3A_37 = arith.constant 16 : i32
      %mul3A_38 = arith.muli %add3A_36, %mul3A_37 : i32
      %add3A_39 = arith.addi %mul3A_23, %mul3A_38 : i32
      "tpu.region"() ({
        %run_scoped3A_55 = tpu.sem_alloc : memref<!tpu.dma_semaphore, #tpu.memory_space<semaphore_mem>>
        %dma_start3A = arith.constant 0 : i32
        %dma_start3A_56 = tpu.memref_slice %arg2[%add3A_39, %dma_start3A] : memref<2560x128xi32, #tpu.memory_space<hbm>> -> memref<16x128xi32, #tpu.memory_space<hbm>>
        %dma_start3A_57 = arith.constant 0 : i32
        %dma_start3A_58 = tpu.memref_slice %arg2[%add3A_39, %dma_start3A_57] : memref<2560x128xi32, #tpu.memory_space<hbm>> -> memref<16x128xi32, #tpu.memory_space<hbm>>
        tpu.enqueue_dma source(%dma_start3A_58 : memref<16x128xi32, #tpu.memory_space<hbm>>) target(%arg4 : memref<16x128xi32, #tpu.memory_space<vmem>>) target_semaphore(%run_scoped3A_55 : memref<!tpu.dma_semaphore, #tpu.memory_space<semaphore_mem>>)
        %dma_wait3A = arith.constant 0 : i32
        %dma_wait3A_59 = tpu.memref_slice %arg2[%add3A_39, %dma_wait3A] : memref<2560x128xi32, #tpu.memory_space<hbm>> -> memref<16x128xi32, #tpu.memory_space<hbm>>
        %dma_wait3A_60 = arith.constant 0 : i32
        %dma_wait3A_61 = tpu.memref_slice %arg2[%add3A_39, %dma_wait3A_60] : memref<2560x128xi32, #tpu.memory_space<hbm>> -> memref<16x128xi32, #tpu.memory_space<hbm>>
        tpu.wait_dma2 semaphore(%run_scoped3A_55 : memref<!tpu.dma_semaphore, #tpu.memory_space<semaphore_mem>>) src(%dma_wait3A_61 : memref<16x128xi32, #tpu.memory_space<hbm>>) dst(%arg4 : memref<16x128xi32, #tpu.memory_space<vmem>>)
        tpu.yield
      }) : () -> ()
      %run_scoped3A = arith.constant 0 : i32
      "tpu.region"() ({
        %run_scoped3A_55 = tpu.sem_alloc : memref<!tpu.dma_semaphore, #tpu.memory_space<semaphore_mem>>
        %dma_start3A = arith.constant 0 : i32
        %dma_start3A_56 = tpu.memref_slice %arg4[%run_scoped3A, %dma_start3A] : memref<16x128xi32, #tpu.memory_space<vmem>> -> memref<1x128xi32, #tpu.memory_space<vmem>>
        %dma_start3A_57 = tpu.memref_squeeze %dma_start3A_56 : memref<1x128xi32, #tpu.memory_space<vmem>> -> memref<128xi32, #tpu.memory_space<vmem>>
        %dma_start3A_58 = arith.constant 0 : i32
        %dma_start3A_59 = arith.constant 0 : i32
        %dma_start3A_60 = tpu.memref_slice %arg7[%dma_start3A_58, %dma_start3A_59] : memref<10240x128xf32, #tpu.memory_space<vmem_shared>> -> memref<10240x128xf32, #tpu.memory_space<vmem_shared>>
        tpu.enqueue_indirect_dma source(%arg5 : memref<128x128xf32, #tpu.memory_space<vmem>>) target(%dma_start3A_60 : memref<10240x128xf32, #tpu.memory_space<vmem_shared>>) offsets(%dma_start3A_57 : memref<128xi32, #tpu.memory_space<vmem>>) semaphore(%run_scoped3A_55 : memref<!tpu.dma_semaphore, #tpu.memory_space<semaphore_mem>>) {add = true}
        %dma_wait3A = arith.constant 0 : i32
        %dma_wait3A_61 = tpu.memref_slice %arg4[%run_scoped3A, %dma_wait3A] : memref<16x128xi32, #tpu.memory_space<vmem>> -> memref<1x128xi32, #tpu.memory_space<vmem>>
        %dma_wait3A_62 = tpu.memref_squeeze %dma_wait3A_61 : memref<1x128xi32, #tpu.memory_space<vmem>> -> memref<128xi32, #tpu.memory_space<vmem>>
        %dma_wait3A_63 = arith.constant 0 : i32
        %dma_wait3A_64 = arith.constant 0 : i32
        %dma_wait3A_65 = tpu.memref_slice %arg7[%dma_wait3A_63, %dma_wait3A_64] : memref<10240x128xf32, #tpu.memory_space<vmem_shared>> -> memref<10240x128xf32, #tpu.memory_space<vmem_shared>>
        tpu.wait_indirect_dma semaphore(%run_scoped3A_55 : memref<!tpu.dma_semaphore, #tpu.memory_space<semaphore_mem>>) src(%arg5 : memref<128x128xf32, #tpu.memory_space<vmem>>) dst(%dma_wait3A_65 : memref<10240x128xf32, #tpu.memory_space<vmem_shared>>)
        tpu.yield
      }) : () -> ()
      %run_scoped3A_40 = arith.constant 1 : i32
      "tpu.region"() ({
        %run_scoped3A_55 = tpu.sem_alloc : memref<!tpu.dma_semaphore, #tpu.memory_space<semaphore_mem>>
        %dma_start3A = arith.constant 0 : i32
        %dma_start3A_56 = tpu.memref_slice %arg4[%run_scoped3A_40, %dma_start3A] : memref<16x128xi32, #tpu.memory_space<vmem>> -> memref<1x128xi32, #tpu.memory_space<vmem>>
        %dma_start3A_57 = tpu.memref_squeeze %dma_start3A_56 : memref<1x128xi32, #tpu.memory_space<vmem>> -> memref<128xi32, #tpu.memory_space<vmem>>
        %dma_start3A_58 = arith.constant 0 : i32
        %dma_start3A_59 = arith.constant 0 : i32
        %dma_start3A_60 = tpu.memref_slice %arg7[%dma_start3A_58, %dma_start3A_59] : memref<10240x128xf32, #tpu.memory_space<vmem_shared>> -> memref<10240x128xf32, #tpu.memory_space<vmem_shared>>
        tpu.enqueue_indirect_dma source(%arg5 : memref<128x128xf32, #tpu.memory_space<vmem>>) target(%dma_start3A_60 : memref<10240x128xf32, #tpu.memory_space<vmem_shared>>) offsets(%dma_start3A_57 : memref<128xi32, #tpu.memory_space<vmem>>) semaphore(%run_scoped3A_55 : memref<!tpu.dma_semaphore, #tpu.memory_space<semaphore_mem>>) {add = true}
        %dma_wait3A = arith.constant 0 : i32
        %dma_wait3A_61 = tpu.memref_slice %arg4[%run_scoped3A_40, %dma_wait3A] : memref<16x128xi32, #tpu.memory_space<vmem>> -> memref<1x128xi32, #tpu.memory_space<vmem>>
        %dma_wait3A_62 = tpu.memref_squeeze %dma_wait3A_61 : memref<1x128xi32, #tpu.memory_space<vmem>> -> memref<128xi32, #tpu.memory_space<vmem>>
        %dma_wait3A_63 = arith.constant 0 : i32
        %dma_wait3A_64 = arith.constant 0 : i32
        %dma_wait3A_65 = tpu.memref_slice %arg7[%dma_wait3A_63, %dma_wait3A_64] : memref<10240x128xf32, #tpu.memory_space<vmem_shared>> -> memref<10240x128xf32, #tpu.memory_space<vmem_shared>>
        tpu.wait_indirect_dma semaphore(%run_scoped3A_55 : memref<!tpu.dma_semaphore, #tpu.memory_space<semaphore_mem>>) src(%arg5 : memref<128x128xf32, #tpu.memory_space<vmem>>) dst(%dma_wait3A_65 : memref<10240x128xf32, #tpu.memory_space<vmem_shared>>)
        tpu.yield
      }) : () -> ()
      %run_scoped3A_41 = arith.constant 2 : i32
      "tpu.region"() ({
        %run_scoped3A_55 = tpu.sem_alloc : memref<!tpu.dma_semaphore, #tpu.memory_space<semaphore_mem>>
        %dma_start3A = arith.constant 0 : i32
        %dma_start3A_56 = tpu.memref_slice %arg4[%run_scoped3A_41, %dma_start3A] : memref<16x128xi32, #tpu.memory_space<vmem>> -> memref<1x128xi32, #tpu.memory_space<vmem>>
        %dma_start3A_57 = tpu.memref_squeeze %dma_start3A_56 : memref<1x128xi32, #tpu.memory_space<vmem>> -> memref<128xi32, #tpu.memory_space<vmem>>
        %dma_start3A_58 = arith.constant 0 : i32
        %dma_start3A_59 = arith.constant 0 : i32
        %dma_start3A_60 = tpu.memref_slice %arg7[%dma_start3A_58, %dma_start3A_59] : memref<10240x128xf32, #tpu.memory_space<vmem_shared>> -> memref<10240x128xf32, #tpu.memory_space<vmem_shared>>
        tpu.enqueue_indirect_dma source(%arg5 : memref<128x128xf32, #tpu.memory_space<vmem>>) target(%dma_start3A_60 : memref<10240x128xf32, #tpu.memory_space<vmem_shared>>) offsets(%dma_start3A_57 : memref<128xi32, #tpu.memory_space<vmem>>) semaphore(%run_scoped3A_55 : memref<!tpu.dma_semaphore, #tpu.memory_space<semaphore_mem>>) {add = true}
        %dma_wait3A = arith.constant 0 : i32
        %dma_wait3A_61 = tpu.memref_slice %arg4[%run_scoped3A_41, %dma_wait3A] : memref<16x128xi32, #tpu.memory_space<vmem>> -> memref<1x128xi32, #tpu.memory_space<vmem>>
        %dma_wait3A_62 = tpu.memref_squeeze %dma_wait3A_61 : memref<1x128xi32, #tpu.memory_space<vmem>> -> memref<128xi32, #tpu.memory_space<vmem>>
        %dma_wait3A_63 = arith.constant 0 : i32
        %dma_wait3A_64 = arith.constant 0 : i32
        %dma_wait3A_65 = tpu.memref_slice %arg7[%dma_wait3A_63, %dma_wait3A_64] : memref<10240x128xf32, #tpu.memory_space<vmem_shared>> -> memref<10240x128xf32, #tpu.memory_space<vmem_shared>>
        tpu.wait_indirect_dma semaphore(%run_scoped3A_55 : memref<!tpu.dma_semaphore, #tpu.memory_space<semaphore_mem>>) src(%arg5 : memref<128x128xf32, #tpu.memory_space<vmem>>) dst(%dma_wait3A_65 : memref<10240x128xf32, #tpu.memory_space<vmem_shared>>)
        tpu.yield
      }) : () -> ()
      %run_scoped3A_42 = arith.constant 3 : i32
      "tpu.region"() ({
        %run_scoped3A_55 = tpu.sem_alloc : memref<!tpu.dma_semaphore, #tpu.memory_space<semaphore_mem>>
        %dma_start3A = arith.constant 0 : i32
        %dma_start3A_56 = tpu.memref_slice %arg4[%run_scoped3A_42, %dma_start3A] : memref<16x128xi32, #tpu.memory_space<vmem>> -> memref<1x128xi32, #tpu.memory_space<vmem>>
        %dma_start3A_57 = tpu.memref_squeeze %dma_start3A_56 : memref<1x128xi32, #tpu.memory_space<vmem>> -> memref<128xi32, #tpu.memory_space<vmem>>
        %dma_start3A_58 = arith.constant 0 : i32
        %dma_start3A_59 = arith.constant 0 : i32
        %dma_start3A_60 = tpu.memref_slice %arg7[%dma_start3A_58, %dma_start3A_59] : memref<10240x128xf32, #tpu.memory_space<vmem_shared>> -> memref<10240x128xf32, #tpu.memory_space<vmem_shared>>
        tpu.enqueue_indirect_dma source(%arg5 : memref<128x128xf32, #tpu.memory_space<vmem>>) target(%dma_start3A_60 : memref<10240x128xf32, #tpu.memory_space<vmem_shared>>) offsets(%dma_start3A_57 : memref<128xi32, #tpu.memory_space<vmem>>) semaphore(%run_scoped3A_55 : memref<!tpu.dma_semaphore, #tpu.memory_space<semaphore_mem>>) {add = true}
        %dma_wait3A = arith.constant 0 : i32
        %dma_wait3A_61 = tpu.memref_slice %arg4[%run_scoped3A_42, %dma_wait3A] : memref<16x128xi32, #tpu.memory_space<vmem>> -> memref<1x128xi32, #tpu.memory_space<vmem>>
        %dma_wait3A_62 = tpu.memref_squeeze %dma_wait3A_61 : memref<1x128xi32, #tpu.memory_space<vmem>> -> memref<128xi32, #tpu.memory_space<vmem>>
        %dma_wait3A_63 = arith.constant 0 : i32
        %dma_wait3A_64 = arith.constant 0 : i32
        %dma_wait3A_65 = tpu.memref_slice %arg7[%dma_wait3A_63, %dma_wait3A_64] : memref<10240x128xf32, #tpu.memory_space<vmem_shared>> -> memref<10240x128xf32, #tpu.memory_space<vmem_shared>>
        tpu.wait_indirect_dma semaphore(%run_scoped3A_55 : memref<!tpu.dma_semaphore, #tpu.memory_space<semaphore_mem>>) src(%arg5 : memref<128x128xf32, #tpu.memory_space<vmem>>) dst(%dma_wait3A_65 : memref<10240x128xf32, #tpu.memory_space<vmem_shared>>)
        tpu.yield
      }) : () -> ()
      %run_scoped3A_43 = arith.constant 4 : i32
      "tpu.region"() ({
        %run_scoped3A_55 = tpu.sem_alloc : memref<!tpu.dma_semaphore, #tpu.memory_space<semaphore_mem>>
        %dma_start3A = arith.constant 0 : i32
        %dma_start3A_56 = tpu.memref_slice %arg4[%run_scoped3A_43, %dma_start3A] : memref<16x128xi32, #tpu.memory_space<vmem>> -> memref<1x128xi32, #tpu.memory_space<vmem>>
        %dma_start3A_57 = tpu.memref_squeeze %dma_start3A_56 : memref<1x128xi32, #tpu.memory_space<vmem>> -> memref<128xi32, #tpu.memory_space<vmem>>
        %dma_start3A_58 = arith.constant 0 : i32
        %dma_start3A_59 = arith.constant 0 : i32
        %dma_start3A_60 = tpu.memref_slice %arg7[%dma_start3A_58, %dma_start3A_59] : memref<10240x128xf32, #tpu.memory_space<vmem_shared>> -> memref<10240x128xf32, #tpu.memory_space<vmem_shared>>
        tpu.enqueue_indirect_dma source(%arg5 : memref<128x128xf32, #tpu.memory_space<vmem>>) target(%dma_start3A_60 : memref<10240x128xf32, #tpu.memory_space<vmem_shared>>) offsets(%dma_start3A_57 : memref<128xi32, #tpu.memory_space<vmem>>) semaphore(%run_scoped3A_55 : memref<!tpu.dma_semaphore, #tpu.memory_space<semaphore_mem>>) {add = true}
        %dma_wait3A = arith.constant 0 : i32
        %dma_wait3A_61 = tpu.memref_slice %arg4[%run_scoped3A_43, %dma_wait3A] : memref<16x128xi32, #tpu.memory_space<vmem>> -> memref<1x128xi32, #tpu.memory_space<vmem>>
        %dma_wait3A_62 = tpu.memref_squeeze %dma_wait3A_61 : memref<1x128xi32, #tpu.memory_space<vmem>> -> memref<128xi32, #tpu.memory_space<vmem>>
        %dma_wait3A_63 = arith.constant 0 : i32
        %dma_wait3A_64 = arith.constant 0 : i32
        %dma_wait3A_65 = tpu.memref_slice %arg7[%dma_wait3A_63, %dma_wait3A_64] : memref<10240x128xf32, #tpu.memory_space<vmem_shared>> -> memref<10240x128xf32, #tpu.memory_space<vmem_shared>>
        tpu.wait_indirect_dma semaphore(%run_scoped3A_55 : memref<!tpu.dma_semaphore, #tpu.memory_space<semaphore_mem>>) src(%arg5 : memref<128x128xf32, #tpu.memory_space<vmem>>) dst(%dma_wait3A_65 : memref<10240x128xf32, #tpu.memory_space<vmem_shared>>)
        tpu.yield
      }) : () -> ()
      %run_scoped3A_44 = arith.constant 5 : i32
      "tpu.region"() ({
        %run_scoped3A_55 = tpu.sem_alloc : memref<!tpu.dma_semaphore, #tpu.memory_space<semaphore_mem>>
        %dma_start3A = arith.constant 0 : i32
        %dma_start3A_56 = tpu.memref_slice %arg4[%run_scoped3A_44, %dma_start3A] : memref<16x128xi32, #tpu.memory_space<vmem>> -> memref<1x128xi32, #tpu.memory_space<vmem>>
        %dma_start3A_57 = tpu.memref_squeeze %dma_start3A_56 : memref<1x128xi32, #tpu.memory_space<vmem>> -> memref<128xi32, #tpu.memory_space<vmem>>
        %dma_start3A_58 = arith.constant 0 : i32
        %dma_start3A_59 = arith.constant 0 : i32
        %dma_start3A_60 = tpu.memref_slice %arg7[%dma_start3A_58, %dma_start3A_59] : memref<10240x128xf32, #tpu.memory_space<vmem_shared>> -> memref<10240x128xf32, #tpu.memory_space<vmem_shared>>
        tpu.enqueue_indirect_dma source(%arg5 : memref<128x128xf32, #tpu.memory_space<vmem>>) target(%dma_start3A_60 : memref<10240x128xf32, #tpu.memory_space<vmem_shared>>) offsets(%dma_start3A_57 : memref<128xi32, #tpu.memory_space<vmem>>) semaphore(%run_scoped3A_55 : memref<!tpu.dma_semaphore, #tpu.memory_space<semaphore_mem>>) {add = true}
        %dma_wait3A = arith.constant 0 : i32
        %dma_wait3A_61 = tpu.memref_slice %arg4[%run_scoped3A_44, %dma_wait3A] : memref<16x128xi32, #tpu.memory_space<vmem>> -> memref<1x128xi32, #tpu.memory_space<vmem>>
        %dma_wait3A_62 = tpu.memref_squeeze %dma_wait3A_61 : memref<1x128xi32, #tpu.memory_space<vmem>> -> memref<128xi32, #tpu.memory_space<vmem>>
        %dma_wait3A_63 = arith.constant 0 : i32
        %dma_wait3A_64 = arith.constant 0 : i32
        %dma_wait3A_65 = tpu.memref_slice %arg7[%dma_wait3A_63, %dma_wait3A_64] : memref<10240x128xf32, #tpu.memory_space<vmem_shared>> -> memref<10240x128xf32, #tpu.memory_space<vmem_shared>>
        tpu.wait_indirect_dma semaphore(%run_scoped3A_55 : memref<!tpu.dma_semaphore, #tpu.memory_space<semaphore_mem>>) src(%arg5 : memref<128x128xf32, #tpu.memory_space<vmem>>) dst(%dma_wait3A_65 : memref<10240x128xf32, #tpu.memory_space<vmem_shared>>)
        tpu.yield
      }) : () -> ()
      %run_scoped3A_45 = arith.constant 6 : i32
      "tpu.region"() ({
        %run_scoped3A_55 = tpu.sem_alloc : memref<!tpu.dma_semaphore, #tpu.memory_space<semaphore_mem>>
        %dma_start3A = arith.constant 0 : i32
        %dma_start3A_56 = tpu.memref_slice %arg4[%run_scoped3A_45, %dma_start3A] : memref<16x128xi32, #tpu.memory_space<vmem>> -> memref<1x128xi32, #tpu.memory_space<vmem>>
        %dma_start3A_57 = tpu.memref_squeeze %dma_start3A_56 : memref<1x128xi32, #tpu.memory_space<vmem>> -> memref<128xi32, #tpu.memory_space<vmem>>
        %dma_start3A_58 = arith.constant 0 : i32
        %dma_start3A_59 = arith.constant 0 : i32
        %dma_start3A_60 = tpu.memref_slice %arg7[%dma_start3A_58, %dma_start3A_59] : memref<10240x128xf32, #tpu.memory_space<vmem_shared>> -> memref<10240x128xf32, #tpu.memory_space<vmem_shared>>
        tpu.enqueue_indirect_dma source(%arg5 : memref<128x128xf32, #tpu.memory_space<vmem>>) target(%dma_start3A_60 : memref<10240x128xf32, #tpu.memory_space<vmem_shared>>) offsets(%dma_start3A_57 : memref<128xi32, #tpu.memory_space<vmem>>) semaphore(%run_scoped3A_55 : memref<!tpu.dma_semaphore, #tpu.memory_space<semaphore_mem>>) {add = true}
        %dma_wait3A = arith.constant 0 : i32
        %dma_wait3A_61 = tpu.memref_slice %arg4[%run_scoped3A_45, %dma_wait3A] : memref<16x128xi32, #tpu.memory_space<vmem>> -> memref<1x128xi32, #tpu.memory_space<vmem>>
        %dma_wait3A_62 = tpu.memref_squeeze %dma_wait3A_61 : memref<1x128xi32, #tpu.memory_space<vmem>> -> memref<128xi32, #tpu.memory_space<vmem>>
        %dma_wait3A_63 = arith.constant 0 : i32
        %dma_wait3A_64 = arith.constant 0 : i32
        %dma_wait3A_65 = tpu.memref_slice %arg7[%dma_wait3A_63, %dma_wait3A_64] : memref<10240x128xf32, #tpu.memory_space<vmem_shared>> -> memref<10240x128xf32, #tpu.memory_space<vmem_shared>>
        tpu.wait_indirect_dma semaphore(%run_scoped3A_55 : memref<!tpu.dma_semaphore, #tpu.memory_space<semaphore_mem>>) src(%arg5 : memref<128x128xf32, #tpu.memory_space<vmem>>) dst(%dma_wait3A_65 : memref<10240x128xf32, #tpu.memory_space<vmem_shared>>)
        tpu.yield
      }) : () -> ()
      %run_scoped3A_46 = arith.constant 7 : i32
      "tpu.region"() ({
        %run_scoped3A_55 = tpu.sem_alloc : memref<!tpu.dma_semaphore, #tpu.memory_space<semaphore_mem>>
        %dma_start3A = arith.constant 0 : i32
        %dma_start3A_56 = tpu.memref_slice %arg4[%run_scoped3A_46, %dma_start3A] : memref<16x128xi32, #tpu.memory_space<vmem>> -> memref<1x128xi32, #tpu.memory_space<vmem>>
        %dma_start3A_57 = tpu.memref_squeeze %dma_start3A_56 : memref<1x128xi32, #tpu.memory_space<vmem>> -> memref<128xi32, #tpu.memory_space<vmem>>
        %dma_start3A_58 = arith.constant 0 : i32
        %dma_start3A_59 = arith.constant 0 : i32
        %dma_start3A_60 = tpu.memref_slice %arg7[%dma_start3A_58, %dma_start3A_59] : memref<10240x128xf32, #tpu.memory_space<vmem_shared>> -> memref<10240x128xf32, #tpu.memory_space<vmem_shared>>
        tpu.enqueue_indirect_dma source(%arg5 : memref<128x128xf32, #tpu.memory_space<vmem>>) target(%dma_start3A_60 : memref<10240x128xf32, #tpu.memory_space<vmem_shared>>) offsets(%dma_start3A_57 : memref<128xi32, #tpu.memory_space<vmem>>) semaphore(%run_scoped3A_55 : memref<!tpu.dma_semaphore, #tpu.memory_space<semaphore_mem>>) {add = true}
        %dma_wait3A = arith.constant 0 : i32
        %dma_wait3A_61 = tpu.memref_slice %arg4[%run_scoped3A_46, %dma_wait3A] : memref<16x128xi32, #tpu.memory_space<vmem>> -> memref<1x128xi32, #tpu.memory_space<vmem>>
        %dma_wait3A_62 = tpu.memref_squeeze %dma_wait3A_61 : memref<1x128xi32, #tpu.memory_space<vmem>> -> memref<128xi32, #tpu.memory_space<vmem>>
        %dma_wait3A_63 = arith.constant 0 : i32
        %dma_wait3A_64 = arith.constant 0 : i32
        %dma_wait3A_65 = tpu.memref_slice %arg7[%dma_wait3A_63, %dma_wait3A_64] : memref<10240x128xf32, #tpu.memory_space<vmem_shared>> -> memref<10240x128xf32, #tpu.memory_space<vmem_shared>>
        tpu.wait_indirect_dma semaphore(%run_scoped3A_55 : memref<!tpu.dma_semaphore, #tpu.memory_space<semaphore_mem>>) src(%arg5 : memref<128x128xf32, #tpu.memory_space<vmem>>) dst(%dma_wait3A_65 : memref<10240x128xf32, #tpu.memory_space<vmem_shared>>)
        tpu.yield
      }) : () -> ()
      %run_scoped3A_47 = arith.constant 8 : i32
      "tpu.region"() ({
        %run_scoped3A_55 = tpu.sem_alloc : memref<!tpu.dma_semaphore, #tpu.memory_space<semaphore_mem>>
        %dma_start3A = arith.constant 0 : i32
        %dma_start3A_56 = tpu.memref_slice %arg4[%run_scoped3A_47, %dma_start3A] : memref<16x128xi32, #tpu.memory_space<vmem>> -> memref<1x128xi32, #tpu.memory_space<vmem>>
        %dma_start3A_57 = tpu.memref_squeeze %dma_start3A_56 : memref<1x128xi32, #tpu.memory_space<vmem>> -> memref<128xi32, #tpu.memory_space<vmem>>
        %dma_start3A_58 = arith.constant 0 : i32
        %dma_start3A_59 = arith.constant 0 : i32
        %dma_start3A_60 = tpu.memref_slice %arg7[%dma_start3A_58, %dma_start3A_59] : memref<10240x128xf32, #tpu.memory_space<vmem_shared>> -> memref<10240x128xf32, #tpu.memory_space<vmem_shared>>
        tpu.enqueue_indirect_dma source(%arg5 : memref<128x128xf32, #tpu.memory_space<vmem>>) target(%dma_start3A_60 : memref<10240x128xf32, #tpu.memory_space<vmem_shared>>) offsets(%dma_start3A_57 : memref<128xi32, #tpu.memory_space<vmem>>) semaphore(%run_scoped3A_55 : memref<!tpu.dma_semaphore, #tpu.memory_space<semaphore_mem>>) {add = true}
        %dma_wait3A = arith.constant 0 : i32
        %dma_wait3A_61 = tpu.memref_slice %arg4[%run_scoped3A_47, %dma_wait3A] : memref<16x128xi32, #tpu.memory_space<vmem>> -> memref<1x128xi32, #tpu.memory_space<vmem>>
        %dma_wait3A_62 = tpu.memref_squeeze %dma_wait3A_61 : memref<1x128xi32, #tpu.memory_space<vmem>> -> memref<128xi32, #tpu.memory_space<vmem>>
        %dma_wait3A_63 = arith.constant 0 : i32
        %dma_wait3A_64 = arith.constant 0 : i32
        %dma_wait3A_65 = tpu.memref_slice %arg7[%dma_wait3A_63, %dma_wait3A_64] : memref<10240x128xf32, #tpu.memory_space<vmem_shared>> -> memref<10240x128xf32, #tpu.memory_space<vmem_shared>>
        tpu.wait_indirect_dma semaphore(%run_scoped3A_55 : memref<!tpu.dma_semaphore, #tpu.memory_space<semaphore_mem>>) src(%arg5 : memref<128x128xf32, #tpu.memory_space<vmem>>) dst(%dma_wait3A_65 : memref<10240x128xf32, #tpu.memory_space<vmem_shared>>)
        tpu.yield
      }) : () -> ()
      %run_scoped3A_48 = arith.constant 9 : i32
      "tpu.region"() ({
        %run_scoped3A_55 = tpu.sem_alloc : memref<!tpu.dma_semaphore, #tpu.memory_space<semaphore_mem>>
        %dma_start3A = arith.constant 0 : i32
        %dma_start3A_56 = tpu.memref_slice %arg4[%run_scoped3A_48, %dma_start3A] : memref<16x128xi32, #tpu.memory_space<vmem>> -> memref<1x128xi32, #tpu.memory_space<vmem>>
        %dma_start3A_57 = tpu.memref_squeeze %dma_start3A_56 : memref<1x128xi32, #tpu.memory_space<vmem>> -> memref<128xi32, #tpu.memory_space<vmem>>
        %dma_start3A_58 = arith.constant 0 : i32
        %dma_start3A_59 = arith.constant 0 : i32
        %dma_start3A_60 = tpu.memref_slice %arg7[%dma_start3A_58, %dma_start3A_59] : memref<10240x128xf32, #tpu.memory_space<vmem_shared>> -> memref<10240x128xf32, #tpu.memory_space<vmem_shared>>
        tpu.enqueue_indirect_dma source(%arg5 : memref<128x128xf32, #tpu.memory_space<vmem>>) target(%dma_start3A_60 : memref<10240x128xf32, #tpu.memory_space<vmem_shared>>) offsets(%dma_start3A_57 : memref<128xi32, #tpu.memory_space<vmem>>) semaphore(%run_scoped3A_55 : memref<!tpu.dma_semaphore, #tpu.memory_space<semaphore_mem>>) {add = true}
        %dma_wait3A = arith.constant 0 : i32
        %dma_wait3A_61 = tpu.memref_slice %arg4[%run_scoped3A_48, %dma_wait3A] : memref<16x128xi32, #tpu.memory_space<vmem>> -> memref<1x128xi32, #tpu.memory_space<vmem>>
        %dma_wait3A_62 = tpu.memref_squeeze %dma_wait3A_61 : memref<1x128xi32, #tpu.memory_space<vmem>> -> memref<128xi32, #tpu.memory_space<vmem>>
        %dma_wait3A_63 = arith.constant 0 : i32
        %dma_wait3A_64 = arith.constant 0 : i32
        %dma_wait3A_65 = tpu.memref_slice %arg7[%dma_wait3A_63, %dma_wait3A_64] : memref<10240x128xf32, #tpu.memory_space<vmem_shared>> -> memref<10240x128xf32, #tpu.memory_space<vmem_shared>>
        tpu.wait_indirect_dma semaphore(%run_scoped3A_55 : memref<!tpu.dma_semaphore, #tpu.memory_space<semaphore_mem>>) src(%arg5 : memref<128x128xf32, #tpu.memory_space<vmem>>) dst(%dma_wait3A_65 : memref<10240x128xf32, #tpu.memory_space<vmem_shared>>)
        tpu.yield
      }) : () -> ()
      %run_scoped3A_49 = arith.constant 10 : i32
      "tpu.region"() ({
        %run_scoped3A_55 = tpu.sem_alloc : memref<!tpu.dma_semaphore, #tpu.memory_space<semaphore_mem>>
        %dma_start3A = arith.constant 0 : i32
        %dma_start3A_56 = tpu.memref_slice %arg4[%run_scoped3A_49, %dma_start3A] : memref<16x128xi32, #tpu.memory_space<vmem>> -> memref<1x128xi32, #tpu.memory_space<vmem>>
        %dma_start3A_57 = tpu.memref_squeeze %dma_start3A_56 : memref<1x128xi32, #tpu.memory_space<vmem>> -> memref<128xi32, #tpu.memory_space<vmem>>
        %dma_start3A_58 = arith.constant 0 : i32
        %dma_start3A_59 = arith.constant 0 : i32
        %dma_start3A_60 = tpu.memref_slice %arg7[%dma_start3A_58, %dma_start3A_59] : memref<10240x128xf32, #tpu.memory_space<vmem_shared>> -> memref<10240x128xf32, #tpu.memory_space<vmem_shared>>
        tpu.enqueue_indirect_dma source(%arg5 : memref<128x128xf32, #tpu.memory_space<vmem>>) target(%dma_start3A_60 : memref<10240x128xf32, #tpu.memory_space<vmem_shared>>) offsets(%dma_start3A_57 : memref<128xi32, #tpu.memory_space<vmem>>) semaphore(%run_scoped3A_55 : memref<!tpu.dma_semaphore, #tpu.memory_space<semaphore_mem>>) {add = true}
        %dma_wait3A = arith.constant 0 : i32
        %dma_wait3A_61 = tpu.memref_slice %arg4[%run_scoped3A_49, %dma_wait3A] : memref<16x128xi32, #tpu.memory_space<vmem>> -> memref<1x128xi32, #tpu.memory_space<vmem>>
        %dma_wait3A_62 = tpu.memref_squeeze %dma_wait3A_61 : memref<1x128xi32, #tpu.memory_space<vmem>> -> memref<128xi32, #tpu.memory_space<vmem>>
        %dma_wait3A_63 = arith.constant 0 : i32
        %dma_wait3A_64 = arith.constant 0 : i32
        %dma_wait3A_65 = tpu.memref_slice %arg7[%dma_wait3A_63, %dma_wait3A_64] : memref<10240x128xf32, #tpu.memory_space<vmem_shared>> -> memref<10240x128xf32, #tpu.memory_space<vmem_shared>>
        tpu.wait_indirect_dma semaphore(%run_scoped3A_55 : memref<!tpu.dma_semaphore, #tpu.memory_space<semaphore_mem>>) src(%arg5 : memref<128x128xf32, #tpu.memory_space<vmem>>) dst(%dma_wait3A_65 : memref<10240x128xf32, #tpu.memory_space<vmem_shared>>)
        tpu.yield
      }) : () -> ()
      %run_scoped3A_50 = arith.constant 11 : i32
      "tpu.region"() ({
        %run_scoped3A_55 = tpu.sem_alloc : memref<!tpu.dma_semaphore, #tpu.memory_space<semaphore_mem>>
        %dma_start3A = arith.constant 0 : i32
        %dma_start3A_56 = tpu.memref_slice %arg4[%run_scoped3A_50, %dma_start3A] : memref<16x128xi32, #tpu.memory_space<vmem>> -> memref<1x128xi32, #tpu.memory_space<vmem>>
        %dma_start3A_57 = tpu.memref_squeeze %dma_start3A_56 : memref<1x128xi32, #tpu.memory_space<vmem>> -> memref<128xi32, #tpu.memory_space<vmem>>
        %dma_start3A_58 = arith.constant 0 : i32
        %dma_start3A_59 = arith.constant 0 : i32
        %dma_start3A_60 = tpu.memref_slice %arg7[%dma_start3A_58, %dma_start3A_59] : memref<10240x128xf32, #tpu.memory_space<vmem_shared>> -> memref<10240x128xf32, #tpu.memory_space<vmem_shared>>
        tpu.enqueue_indirect_dma source(%arg5 : memref<128x128xf32, #tpu.memory_space<vmem>>) target(%dma_start3A_60 : memref<10240x128xf32, #tpu.memory_space<vmem_shared>>) offsets(%dma_start3A_57 : memref<128xi32, #tpu.memory_space<vmem>>) semaphore(%run_scoped3A_55 : memref<!tpu.dma_semaphore, #tpu.memory_space<semaphore_mem>>) {add = true}
        %dma_wait3A = arith.constant 0 : i32
        %dma_wait3A_61 = tpu.memref_slice %arg4[%run_scoped3A_50, %dma_wait3A] : memref<16x128xi32, #tpu.memory_space<vmem>> -> memref<1x128xi32, #tpu.memory_space<vmem>>
        %dma_wait3A_62 = tpu.memref_squeeze %dma_wait3A_61 : memref<1x128xi32, #tpu.memory_space<vmem>> -> memref<128xi32, #tpu.memory_space<vmem>>
        %dma_wait3A_63 = arith.constant 0 : i32
        %dma_wait3A_64 = arith.constant 0 : i32
        %dma_wait3A_65 = tpu.memref_slice %arg7[%dma_wait3A_63, %dma_wait3A_64] : memref<10240x128xf32, #tpu.memory_space<vmem_shared>> -> memref<10240x128xf32, #tpu.memory_space<vmem_shared>>
        tpu.wait_indirect_dma semaphore(%run_scoped3A_55 : memref<!tpu.dma_semaphore, #tpu.memory_space<semaphore_mem>>) src(%arg5 : memref<128x128xf32, #tpu.memory_space<vmem>>) dst(%dma_wait3A_65 : memref<10240x128xf32, #tpu.memory_space<vmem_shared>>)
        tpu.yield
      }) : () -> ()
      %run_scoped3A_51 = arith.constant 12 : i32
      "tpu.region"() ({
        %run_scoped3A_55 = tpu.sem_alloc : memref<!tpu.dma_semaphore, #tpu.memory_space<semaphore_mem>>
        %dma_start3A = arith.constant 0 : i32
        %dma_start3A_56 = tpu.memref_slice %arg4[%run_scoped3A_51, %dma_start3A] : memref<16x128xi32, #tpu.memory_space<vmem>> -> memref<1x128xi32, #tpu.memory_space<vmem>>
        %dma_start3A_57 = tpu.memref_squeeze %dma_start3A_56 : memref<1x128xi32, #tpu.memory_space<vmem>> -> memref<128xi32, #tpu.memory_space<vmem>>
        %dma_start3A_58 = arith.constant 0 : i32
        %dma_start3A_59 = arith.constant 0 : i32
        %dma_start3A_60 = tpu.memref_slice %arg7[%dma_start3A_58, %dma_start3A_59] : memref<10240x128xf32, #tpu.memory_space<vmem_shared>> -> memref<10240x128xf32, #tpu.memory_space<vmem_shared>>
        tpu.enqueue_indirect_dma source(%arg5 : memref<128x128xf32, #tpu.memory_space<vmem>>) target(%dma_start3A_60 : memref<10240x128xf32, #tpu.memory_space<vmem_shared>>) offsets(%dma_start3A_57 : memref<128xi32, #tpu.memory_space<vmem>>) semaphore(%run_scoped3A_55 : memref<!tpu.dma_semaphore, #tpu.memory_space<semaphore_mem>>) {add = true}
        %dma_wait3A = arith.constant 0 : i32
        %dma_wait3A_61 = tpu.memref_slice %arg4[%run_scoped3A_51, %dma_wait3A] : memref<16x128xi32, #tpu.memory_space<vmem>> -> memref<1x128xi32, #tpu.memory_space<vmem>>
        %dma_wait3A_62 = tpu.memref_squeeze %dma_wait3A_61 : memref<1x128xi32, #tpu.memory_space<vmem>> -> memref<128xi32, #tpu.memory_space<vmem>>
        %dma_wait3A_63 = arith.constant 0 : i32
        %dma_wait3A_64 = arith.constant 0 : i32
        %dma_wait3A_65 = tpu.memref_slice %arg7[%dma_wait3A_63, %dma_wait3A_64] : memref<10240x128xf32, #tpu.memory_space<vmem_shared>> -> memref<10240x128xf32, #tpu.memory_space<vmem_shared>>
        tpu.wait_indirect_dma semaphore(%run_scoped3A_55 : memref<!tpu.dma_semaphore, #tpu.memory_space<semaphore_mem>>) src(%arg5 : memref<128x128xf32, #tpu.memory_space<vmem>>) dst(%dma_wait3A_65 : memref<10240x128xf32, #tpu.memory_space<vmem_shared>>)
        tpu.yield
      }) : () -> ()
      %run_scoped3A_52 = arith.constant 13 : i32
      "tpu.region"() ({
        %run_scoped3A_55 = tpu.sem_alloc : memref<!tpu.dma_semaphore, #tpu.memory_space<semaphore_mem>>
        %dma_start3A = arith.constant 0 : i32
        %dma_start3A_56 = tpu.memref_slice %arg4[%run_scoped3A_52, %dma_start3A] : memref<16x128xi32, #tpu.memory_space<vmem>> -> memref<1x128xi32, #tpu.memory_space<vmem>>
        %dma_start3A_57 = tpu.memref_squeeze %dma_start3A_56 : memref<1x128xi32, #tpu.memory_space<vmem>> -> memref<128xi32, #tpu.memory_space<vmem>>
        %dma_start3A_58 = arith.constant 0 : i32
        %dma_start3A_59 = arith.constant 0 : i32
        %dma_start3A_60 = tpu.memref_slice %arg7[%dma_start3A_58, %dma_start3A_59] : memref<10240x128xf32, #tpu.memory_space<vmem_shared>> -> memref<10240x128xf32, #tpu.memory_space<vmem_shared>>
        tpu.enqueue_indirect_dma source(%arg5 : memref<128x128xf32, #tpu.memory_space<vmem>>) target(%dma_start3A_60 : memref<10240x128xf32, #tpu.memory_space<vmem_shared>>) offsets(%dma_start3A_57 : memref<128xi32, #tpu.memory_space<vmem>>) semaphore(%run_scoped3A_55 : memref<!tpu.dma_semaphore, #tpu.memory_space<semaphore_mem>>) {add = true}
        %dma_wait3A = arith.constant 0 : i32
        %dma_wait3A_61 = tpu.memref_slice %arg4[%run_scoped3A_52, %dma_wait3A] : memref<16x128xi32, #tpu.memory_space<vmem>> -> memref<1x128xi32, #tpu.memory_space<vmem>>
        %dma_wait3A_62 = tpu.memref_squeeze %dma_wait3A_61 : memref<1x128xi32, #tpu.memory_space<vmem>> -> memref<128xi32, #tpu.memory_space<vmem>>
        %dma_wait3A_63 = arith.constant 0 : i32
        %dma_wait3A_64 = arith.constant 0 : i32
        %dma_wait3A_65 = tpu.memref_slice %arg7[%dma_wait3A_63, %dma_wait3A_64] : memref<10240x128xf32, #tpu.memory_space<vmem_shared>> -> memref<10240x128xf32, #tpu.memory_space<vmem_shared>>
        tpu.wait_indirect_dma semaphore(%run_scoped3A_55 : memref<!tpu.dma_semaphore, #tpu.memory_space<semaphore_mem>>) src(%arg5 : memref<128x128xf32, #tpu.memory_space<vmem>>) dst(%dma_wait3A_65 : memref<10240x128xf32, #tpu.memory_space<vmem_shared>>)
        tpu.yield
      }) : () -> ()
      %run_scoped3A_53 = arith.constant 14 : i32
      "tpu.region"() ({
        %run_scoped3A_55 = tpu.sem_alloc : memref<!tpu.dma_semaphore, #tpu.memory_space<semaphore_mem>>
        %dma_start3A = arith.constant 0 : i32
        %dma_start3A_56 = tpu.memref_slice %arg4[%run_scoped3A_53, %dma_start3A] : memref<16x128xi32, #tpu.memory_space<vmem>> -> memref<1x128xi32, #tpu.memory_space<vmem>>
        %dma_start3A_57 = tpu.memref_squeeze %dma_start3A_56 : memref<1x128xi32, #tpu.memory_space<vmem>> -> memref<128xi32, #tpu.memory_space<vmem>>
        %dma_start3A_58 = arith.constant 0 : i32
        %dma_start3A_59 = arith.constant 0 : i32
        %dma_start3A_60 = tpu.memref_slice %arg7[%dma_start3A_58, %dma_start3A_59] : memref<10240x128xf32, #tpu.memory_space<vmem_shared>> -> memref<10240x128xf32, #tpu.memory_space<vmem_shared>>
        tpu.enqueue_indirect_dma source(%arg5 : memref<128x128xf32, #tpu.memory_space<vmem>>) target(%dma_start3A_60 : memref<10240x128xf32, #tpu.memory_space<vmem_shared>>) offsets(%dma_start3A_57 : memref<128xi32, #tpu.memory_space<vmem>>) semaphore(%run_scoped3A_55 : memref<!tpu.dma_semaphore, #tpu.memory_space<semaphore_mem>>) {add = true}
        %dma_wait3A = arith.constant 0 : i32
        %dma_wait3A_61 = tpu.memref_slice %arg4[%run_scoped3A_53, %dma_wait3A] : memref<16x128xi32, #tpu.memory_space<vmem>> -> memref<1x128xi32, #tpu.memory_space<vmem>>
        %dma_wait3A_62 = tpu.memref_squeeze %dma_wait3A_61 : memref<1x128xi32, #tpu.memory_space<vmem>> -> memref<128xi32, #tpu.memory_space<vmem>>
        %dma_wait3A_63 = arith.constant 0 : i32
        %dma_wait3A_64 = arith.constant 0 : i32
        %dma_wait3A_65 = tpu.memref_slice %arg7[%dma_wait3A_63, %dma_wait3A_64] : memref<10240x128xf32, #tpu.memory_space<vmem_shared>> -> memref<10240x128xf32, #tpu.memory_space<vmem_shared>>
        tpu.wait_indirect_dma semaphore(%run_scoped3A_55 : memref<!tpu.dma_semaphore, #tpu.memory_space<semaphore_mem>>) src(%arg5 : memref<128x128xf32, #tpu.memory_space<vmem>>) dst(%dma_wait3A_65 : memref<10240x128xf32, #tpu.memory_space<vmem_shared>>)
        tpu.yield
      }) : () -> ()
      %run_scoped3A_54 = arith.constant 15 : i32
      "tpu.region"() ({
        %run_scoped3A_55 = tpu.sem_alloc : memref<!tpu.dma_semaphore, #tpu.memory_space<semaphore_mem>>
        %dma_start3A = arith.constant 0 : i32
        %dma_start3A_56 = tpu.memref_slice %arg4[%run_scoped3A_54, %dma_start3A] : memref<16x128xi32, #tpu.memory_space<vmem>> -> memref<1x128xi32, #tpu.memory_space<vmem>>
        %dma_start3A_57 = tpu.memref_squeeze %dma_start3A_56 : memref<1x128xi32, #tpu.memory_space<vmem>> -> memref<128xi32, #tpu.memory_space<vmem>>
        %dma_start3A_58 = arith.constant 0 : i32
        %dma_start3A_59 = arith.constant 0 : i32
        %dma_start3A_60 = tpu.memref_slice %arg7[%dma_start3A_58, %dma_start3A_59] : memref<10240x128xf32, #tpu.memory_space<vmem_shared>> -> memref<10240x128xf32, #tpu.memory_space<vmem_shared>>
        tpu.enqueue_indirect_dma source(%arg5 : memref<128x128xf32, #tpu.memory_space<vmem>>) target(%dma_start3A_60 : memref<10240x128xf32, #tpu.memory_space<vmem_shared>>) offsets(%dma_start3A_57 : memref<128xi32, #tpu.memory_space<vmem>>) semaphore(%run_scoped3A_55 : memref<!tpu.dma_semaphore, #tpu.memory_space<semaphore_mem>>) {add = true}
        %dma_wait3A = arith.constant 0 : i32
        %dma_wait3A_61 = tpu.memref_slice %arg4[%run_scoped3A_54, %dma_wait3A] : memref<16x128xi32, #tpu.memory_space<vmem>> -> memref<1x128xi32, #tpu.memory_space<vmem>>
        %dma_wait3A_62 = tpu.memref_squeeze %dma_wait3A_61 : memref<1x128xi32, #tpu.memory_space<vmem>> -> memref<128xi32, #tpu.memory_space<vmem>>
        %dma_wait3A_63 = arith.constant 0 : i32
        %dma_wait3A_64 = arith.constant 0 : i32
        %dma_wait3A_65 = tpu.memref_slice %arg7[%dma_wait3A_63, %dma_wait3A_64] : memref<10240x128xf32, #tpu.memory_space<vmem_shared>> -> memref<10240x128xf32, #tpu.memory_space<vmem_shared>>
        tpu.wait_indirect_dma semaphore(%run_scoped3A_55 : memref<!tpu.dma_semaphore, #tpu.memory_space<semaphore_mem>>) src(%arg5 : memref<128x128xf32, #tpu.memory_space<vmem>>) dst(%dma_wait3A_65 : memref<10240x128xf32, #tpu.memory_space<vmem_shared>>)
        tpu.yield
      }) : () -> ()
    }
    %scan3A_28 = arith.constant 10 : i32
    %barrier3A_29 = arith.constant 0 : index
    tpu.barrier barrier_id(%barrier3A_29)
    %eq3A = arith.constant 0 : i32
    %eq3A_30 = arith.cmpi eq, %arg0, %eq3A : i32
    %convert_element_type3A = arith.extui %eq3A_30 : i1 to i32
    %cond3A = arith.constant 0 : i32
    %cond3A_31 = arith.cmpi ne, %convert_element_type3A, %cond3A : i32
    scf.if %cond3A_31 {
      %scan3A_32 = arith.constant 0 : i32
      %scan3A_33 = arith.constant 5 : i32
      %scan3A_34 = arith.addi %scan3A_32, %scan3A_33 : i32
      %scan3A_35 = arith.constant 1 : i32
      scf.for %scan3A_37 = %scan3A_32 to %scan3A_34 step %scan3A_35  : i32 {
        %mul3A_38 = arith.constant 1 : i32
        %mul3A_39 = arith.muli %scan3A_37, %mul3A_38 : i32
        %add3A_40 = arith.constant 0 : i32
        %add3A_41 = arith.addi %add3A_40, %mul3A_39 : i32
        %mul3A_42 = arith.constant 128 : i32
        %mul3A_43 = arith.muli %add3A_41, %mul3A_42 : i32
        %add3A_44 = arith.addi %mul3A_7, %mul3A_43 : i32
        "tpu.region"() ({
          %run_scoped3A = tpu.sem_alloc : memref<!tpu.dma_semaphore, #tpu.memory_space<semaphore_mem>>
          %dma_start3A = arith.constant 0 : i32
          %dma_start3A_53 = tpu.memref_slice %arg7[%add3A_44, %dma_start3A] : memref<10240x128xf32, #tpu.memory_space<vmem_shared>> -> memref<128x128xf32, #tpu.memory_space<vmem_shared>>
          %dma_start3A_54 = arith.constant 0 : i32
          %dma_start3A_55 = tpu.memref_slice %arg7[%add3A_44, %dma_start3A_54] : memref<10240x128xf32, #tpu.memory_space<vmem_shared>> -> memref<128x128xf32, #tpu.memory_space<vmem_shared>>
          tpu.enqueue_dma source(%dma_start3A_55 : memref<128x128xf32, #tpu.memory_space<vmem_shared>>) target(%arg6 : memref<128x128xf32, #tpu.memory_space<vmem>>) target_semaphore(%run_scoped3A : memref<!tpu.dma_semaphore, #tpu.memory_space<semaphore_mem>>)
          %dma_wait3A = arith.constant 0 : i32
          %dma_wait3A_56 = tpu.memref_slice %arg7[%add3A_44, %dma_wait3A] : memref<10240x128xf32, #tpu.memory_space<vmem_shared>> -> memref<128x128xf32, #tpu.memory_space<vmem_shared>>
          %dma_wait3A_57 = arith.constant 0 : i32
          %dma_wait3A_58 = tpu.memref_slice %arg7[%add3A_44, %dma_wait3A_57] : memref<10240x128xf32, #tpu.memory_space<vmem_shared>> -> memref<128x128xf32, #tpu.memory_space<vmem_shared>>
          tpu.wait_dma2 semaphore(%run_scoped3A : memref<!tpu.dma_semaphore, #tpu.memory_space<semaphore_mem>>) src(%dma_wait3A_58 : memref<128x128xf32, #tpu.memory_space<vmem_shared>>) dst(%arg6 : memref<128x128xf32, #tpu.memory_space<vmem>>)
          tpu.yield
        }) : () -> ()
        %scan3A_45 = arith.constant 0 : i32
        %scan3A_46 = arith.constant 128 : i32
        %scan3A_47 = arith.addi %scan3A_45, %scan3A_46 : i32
        %scan3A_48 = arith.constant 1 : i32
        scf.for %scan3A_53 = %scan3A_45 to %scan3A_47 step %scan3A_48  : i32 {
          %mul3A_54 = arith.constant 1 : i32
          %mul3A_55 = arith.muli %scan3A_53, %mul3A_54 : i32
          %add3A_56 = arith.constant 0 : i32
          %add3A_57 = arith.addi %add3A_56, %mul3A_55 : i32
          %get3A = arith.index_cast %add3A_57 : i32 to index
          %get3A_58 = arith.constant 0 : index
          %get3A_59 = tpu.vector_load %arg6[%get3A, %get3A_58] {strides = array<i32>} : memref<128x128xf32, #tpu.memory_space<vmem>>, vector<1x16xf32>,
          %get3A_60 = vector.shape_cast %get3A_59 : vector<1x16xf32> to vector<16xf32>
          %add3A_61 = arith.constant 1.000000e+00 : f32
          %add3A_62 = vector.broadcast %add3A_61 : f32 to vector<16xf32>
          %add3A_63 = arith.addf %get3A_60, %add3A_62 : vector<16xf32>
          %div3A = arith.constant 1.000000e+00 : f32
          %div3A_64 = vector.broadcast %div3A : f32 to vector<16xf32>
          %div3A_65 = arith.divf %div3A_64, %add3A_63 : vector<16xf32>
          %swap3A = arith.index_cast %add3A_57 : i32 to index
          %swap3A_66 = arith.constant 0 : index
          %swap3A_67 = tpu.vector_load %arg6[%swap3A, %swap3A_66] {strides = array<i32>} : memref<128x128xf32, #tpu.memory_space<vmem>>, vector<1x16xf32>,
          %swap3A_68 = vector.shape_cast %swap3A_67 : vector<1x16xf32> to vector<16xf32>
          %swap3A_69 = vector.shape_cast %div3A_65 : vector<16xf32> to vector<1x16xf32>
          tpu.vector_store %arg6[%swap3A, %swap3A_66], %swap3A_69 {strides = array<i32>} : memref<128x128xf32, #tpu.memory_space<vmem>>, vector<1x16xf32>,
          %get3A_70 = arith.index_cast %add3A_57 : i32 to index
          %get3A_71 = arith.constant 16 : index
          %get3A_72 = tpu.vector_load %arg6[%get3A_70, %get3A_71] {strides = array<i32>} : memref<128x128xf32, #tpu.memory_space<vmem>>, vector<1x16xf32>,
          %get3A_73 = vector.shape_cast %get3A_72 : vector<1x16xf32> to vector<16xf32>
          %add3A_74 = arith.constant 1.000000e+00 : f32
          %add3A_75 = vector.broadcast %add3A_74 : f32 to vector<16xf32>
          %add3A_76 = arith.addf %get3A_73, %add3A_75 : vector<16xf32>
          %div3A_77 = arith.constant 1.000000e+00 : f32
          %div3A_78 = vector.broadcast %div3A_77 : f32 to vector<16xf32>
          %div3A_79 = arith.divf %div3A_78, %add3A_76 : vector<16xf32>
          %swap3A_80 = arith.index_cast %add3A_57 : i32 to index
          %swap3A_81 = arith.constant 16 : index
          %swap3A_82 = tpu.vector_load %arg6[%swap3A_80, %swap3A_81] {strides = array<i32>} : memref<128x128xf32, #tpu.memory_space<vmem>>, vector<1x16xf32>,
          %swap3A_83 = vector.shape_cast %swap3A_82 : vector<1x16xf32> to vector<16xf32>
          %swap3A_84 = vector.shape_cast %div3A_79 : vector<16xf32> to vector<1x16xf32>
          tpu.vector_store %arg6[%swap3A_80, %swap3A_81], %swap3A_84 {strides = array<i32>} : memref<128x128xf32, #tpu.memory_space<vmem>>, vector<1x16xf32>,
          %get3A_85 = arith.index_cast %add3A_57 : i32 to index
          %get3A_86 = arith.constant 32 : index
          %get3A_87 = tpu.vector_load %arg6[%get3A_85, %get3A_86] {strides = array<i32>} : memref<128x128xf32, #tpu.memory_space<vmem>>, vector<1x16xf32>,
          %get3A_88 = vector.shape_cast %get3A_87 : vector<1x16xf32> to vector<16xf32>
          %add3A_89 = arith.constant 1.000000e+00 : f32
          %add3A_90 = vector.broadcast %add3A_89 : f32 to vector<16xf32>
          %add3A_91 = arith.addf %get3A_88, %add3A_90 : vector<16xf32>
          %div3A_92 = arith.constant 1.000000e+00 : f32
          %div3A_93 = vector.broadcast %div3A_92 : f32 to vector<16xf32>
          %div3A_94 = arith.divf %div3A_93, %add3A_91 : vector<16xf32>
          %swap3A_95 = arith.index_cast %add3A_57 : i32 to index
          %swap3A_96 = arith.constant 32 : index
          %swap3A_97 = tpu.vector_load %arg6[%swap3A_95, %swap3A_96] {strides = array<i32>} : memref<128x128xf32, #tpu.memory_space<vmem>>, vector<1x16xf32>,
          %swap3A_98 = vector.shape_cast %swap3A_97 : vector<1x16xf32> to vector<16xf32>
          %swap3A_99 = vector.shape_cast %div3A_94 : vector<16xf32> to vector<1x16xf32>
          tpu.vector_store %arg6[%swap3A_95, %swap3A_96], %swap3A_99 {strides = array<i32>} : memref<128x128xf32, #tpu.memory_space<vmem>>, vector<1x16xf32>,
          %get3A_100 = arith.index_cast %add3A_57 : i32 to index
          %get3A_101 = arith.constant 48 : index
          %get3A_102 = tpu.vector_load %arg6[%get3A_100, %get3A_101] {strides = array<i32>} : memref<128x128xf32, #tpu.memory_space<vmem>>, vector<1x16xf32>,
          %get3A_103 = vector.shape_cast %get3A_102 : vector<1x16xf32> to vector<16xf32>
          %add3A_104 = arith.constant 1.000000e+00 : f32
          %add3A_105 = vector.broadcast %add3A_104 : f32 to vector<16xf32>
          %add3A_106 = arith.addf %get3A_103, %add3A_105 : vector<16xf32>
          %div3A_107 = arith.constant 1.000000e+00 : f32
          %div3A_108 = vector.broadcast %div3A_107 : f32 to vector<16xf32>
          %div3A_109 = arith.divf %div3A_108, %add3A_106 : vector<16xf32>
          %swap3A_110 = arith.index_cast %add3A_57 : i32 to index
          %swap3A_111 = arith.constant 48 : index
          %swap3A_112 = tpu.vector_load %arg6[%swap3A_110, %swap3A_111] {strides = array<i32>} : memref<128x128xf32, #tpu.memory_space<vmem>>, vector<1x16xf32>,
          %swap3A_113 = vector.shape_cast %swap3A_112 : vector<1x16xf32> to vector<16xf32>
          %swap3A_114 = vector.shape_cast %div3A_109 : vector<16xf32> to vector<1x16xf32>
          tpu.vector_store %arg6[%swap3A_110, %swap3A_111], %swap3A_114 {strides = array<i32>} : memref<128x128xf32, #tpu.memory_space<vmem>>, vector<1x16xf32>,
          %get3A_115 = arith.index_cast %add3A_57 : i32 to index
          %get3A_116 = arith.constant 64 : index
          %get3A_117 = tpu.vector_load %arg6[%get3A_115, %get3A_116] {strides = array<i32>} : memref<128x128xf32, #tpu.memory_space<vmem>>, vector<1x16xf32>,
          %get3A_118 = vector.shape_cast %get3A_117 : vector<1x16xf32> to vector<16xf32>
          %add3A_119 = arith.constant 1.000000e+00 : f32
          %add3A_120 = vector.broadcast %add3A_119 : f32 to vector<16xf32>
          %add3A_121 = arith.addf %get3A_118, %add3A_120 : vector<16xf32>
          %div3A_122 = arith.constant 1.000000e+00 : f32
          %div3A_123 = vector.broadcast %div3A_122 : f32 to vector<16xf32>
          %div3A_124 = arith.divf %div3A_123, %add3A_121 : vector<16xf32>
          %swap3A_125 = arith.index_cast %add3A_57 : i32 to index
          %swap3A_126 = arith.constant 64 : index
          %swap3A_127 = tpu.vector_load %arg6[%swap3A_125, %swap3A_126] {strides = array<i32>} : memref<128x128xf32, #tpu.memory_space<vmem>>, vector<1x16xf32>,
          %swap3A_128 = vector.shape_cast %swap3A_127 : vector<1x16xf32> to vector<16xf32>
          %swap3A_129 = vector.shape_cast %div3A_124 : vector<16xf32> to vector<1x16xf32>
          tpu.vector_store %arg6[%swap3A_125, %swap3A_126], %swap3A_129 {strides = array<i32>} : memref<128x128xf32, #tpu.memory_space<vmem>>, vector<1x16xf32>,
          %get3A_130 = arith.index_cast %add3A_57 : i32 to index
          %get3A_131 = arith.constant 80 : index
          %get3A_132 = tpu.vector_load %arg6[%get3A_130, %get3A_131] {strides = array<i32>} : memref<128x128xf32, #tpu.memory_space<vmem>>, vector<1x16xf32>,
          %get3A_133 = vector.shape_cast %get3A_132 : vector<1x16xf32> to vector<16xf32>
          %add3A_134 = arith.constant 1.000000e+00 : f32
          %add3A_135 = vector.broadcast %add3A_134 : f32 to vector<16xf32>
          %add3A_136 = arith.addf %get3A_133, %add3A_135 : vector<16xf32>
          %div3A_137 = arith.constant 1.000000e+00 : f32
          %div3A_138 = vector.broadcast %div3A_137 : f32 to vector<16xf32>
          %div3A_139 = arith.divf %div3A_138, %add3A_136 : vector<16xf32>
          %swap3A_140 = arith.index_cast %add3A_57 : i32 to index
          %swap3A_141 = arith.constant 80 : index
          %swap3A_142 = tpu.vector_load %arg6[%swap3A_140, %swap3A_141] {strides = array<i32>} : memref<128x128xf32, #tpu.memory_space<vmem>>, vector<1x16xf32>,
          %swap3A_143 = vector.shape_cast %swap3A_142 : vector<1x16xf32> to vector<16xf32>
          %swap3A_144 = vector.shape_cast %div3A_139 : vector<16xf32> to vector<1x16xf32>
          tpu.vector_store %arg6[%swap3A_140, %swap3A_141], %swap3A_144 {strides = array<i32>} : memref<128x128xf32, #tpu.memory_space<vmem>>, vector<1x16xf32>,
          %get3A_145 = arith.index_cast %add3A_57 : i32 to index
          %get3A_146 = arith.constant 96 : index
          %get3A_147 = tpu.vector_load %arg6[%get3A_145, %get3A_146] {strides = array<i32>} : memref<128x128xf32, #tpu.memory_space<vmem>>, vector<1x16xf32>,
          %get3A_148 = vector.shape_cast %get3A_147 : vector<1x16xf32> to vector<16xf32>
          %add3A_149 = arith.constant 1.000000e+00 : f32
          %add3A_150 = vector.broadcast %add3A_149 : f32 to vector<16xf32>
          %add3A_151 = arith.addf %get3A_148, %add3A_150 : vector<16xf32>
          %div3A_152 = arith.constant 1.000000e+00 : f32
          %div3A_153 = vector.broadcast %div3A_152 : f32 to vector<16xf32>
          %div3A_154 = arith.divf %div3A_153, %add3A_151 : vector<16xf32>
          %swap3A_155 = arith.index_cast %add3A_57 : i32 to index
          %swap3A_156 = arith.constant 96 : index
          %swap3A_157 = tpu.vector_load %arg6[%swap3A_155, %swap3A_156] {strides = array<i32>} : memref<128x128xf32, #tpu.memory_space<vmem>>, vector<1x16xf32>,
          %swap3A_158 = vector.shape_cast %swap3A_157 : vector<1x16xf32> to vector<16xf32>
          %swap3A_159 = vector.shape_cast %div3A_154 : vector<16xf32> to vector<1x16xf32>
          tpu.vector_store %arg6[%swap3A_155, %swap3A_156], %swap3A_159 {strides = array<i32>} : memref<128x128xf32, #tpu.memory_space<vmem>>, vector<1x16xf32>,
          %get3A_160 = arith.index_cast %add3A_57 : i32 to index
          %get3A_161 = arith.constant 112 : index
          %get3A_162 = tpu.vector_load %arg6[%get3A_160, %get3A_161] {strides = array<i32>} : memref<128x128xf32, #tpu.memory_space<vmem>>, vector<1x16xf32>,
          %get3A_163 = vector.shape_cast %get3A_162 : vector<1x16xf32> to vector<16xf32>
          %add3A_164 = arith.constant 1.000000e+00 : f32
          %add3A_165 = vector.broadcast %add3A_164 : f32 to vector<16xf32>
          %add3A_166 = arith.addf %get3A_163, %add3A_165 : vector<16xf32>
          %div3A_167 = arith.constant 1.000000e+00 : f32
          %div3A_168 = vector.broadcast %div3A_167 : f32 to vector<16xf32>
          %div3A_169 = arith.divf %div3A_168, %add3A_166 : vector<16xf32>
          %swap3A_170 = arith.index_cast %add3A_57 : i32 to index
          %swap3A_171 = arith.constant 112 : index
          %swap3A_172 = tpu.vector_load %arg6[%swap3A_170, %swap3A_171] {strides = array<i32>} : memref<128x128xf32, #tpu.memory_space<vmem>>, vector<1x16xf32>,
          %swap3A_173 = vector.shape_cast %swap3A_172 : vector<1x16xf32> to vector<16xf32>
          %swap3A_174 = vector.shape_cast %div3A_169 : vector<16xf32> to vector<1x16xf32>
          tpu.vector_store %arg6[%swap3A_170, %swap3A_171], %swap3A_174 {strides = array<i32>} : memref<128x128xf32, #tpu.memory_space<vmem>>, vector<1x16xf32>,
        }
        %scan3A_49 = arith.constant 128 : i32
        %mul3A_50 = arith.constant 128 : i32
        %mul3A_51 = arith.muli %add3A_41, %mul3A_50 : i32
        %add3A_52 = arith.addi %mul3A_7, %mul3A_51 : i32
        "tpu.region"() ({
          %run_scoped3A = tpu.sem_alloc : memref<!tpu.dma_semaphore, #tpu.memory_space<semaphore_mem>>
          %dma_start3A = arith.constant 0 : i32
          %dma_start3A_53 = tpu.memref_slice %arg3[%add3A_52, %dma_start3A] : memref<10240x128xf32, #tpu.memory_space<hbm>> -> memref<128x128xf32, #tpu.memory_space<hbm>>
          %dma_start3A_54 = arith.constant 0 : i32
          %dma_start3A_55 = tpu.memref_slice %arg3[%add3A_52, %dma_start3A_54] : memref<10240x128xf32, #tpu.memory_space<hbm>> -> memref<128x128xf32, #tpu.memory_space<hbm>>
          tpu.enqueue_dma source(%arg6 : memref<128x128xf32, #tpu.memory_space<vmem>>) target(%dma_start3A_55 : memref<128x128xf32, #tpu.memory_space<hbm>>) target_semaphore(%run_scoped3A : memref<!tpu.dma_semaphore, #tpu.memory_space<semaphore_mem>>)
          %dma_wait3A = arith.constant 0 : i32
          %dma_wait3A_56 = tpu.memref_slice %arg3[%add3A_52, %dma_wait3A] : memref<10240x128xf32, #tpu.memory_space<hbm>> -> memref<128x128xf32, #tpu.memory_space<hbm>>
          %dma_wait3A_57 = arith.constant 0 : i32
          %dma_wait3A_58 = tpu.memref_slice %arg3[%add3A_52, %dma_wait3A_57] : memref<10240x128xf32, #tpu.memory_space<hbm>> -> memref<128x128xf32, #tpu.memory_space<hbm>>
          tpu.wait_dma2 semaphore(%run_scoped3A : memref<!tpu.dma_semaphore, #tpu.memory_space<semaphore_mem>>) src(%arg6 : memref<128x128xf32, #tpu.memory_space<vmem>>) dst(%dma_wait3A_58 : memref<128x128xf32, #tpu.memory_space<hbm>>)
          tpu.yield
        }) : () -> ()
      }
      %scan3A_36 = arith.constant 5 : i32
    } else {
    }
    return
  }
}

</mosaic_0001>

<sc_bundles>
// kernel: _sc_deg.3.cloned.1.call-start
scs
__scs_entry_jumppad:
0x0: {  	(pc) =	sbr.rel $0x88, $3  }
0x1: {  	(tag) =	ssettag $0x0;
	lr =	simm.s32 $0x1  }
0x2: {  	[smem:$0x3FA0] =	sst lr;
	_ =	strace $0xD0000000  }
0x3: {  	_ = 	snop  }
0x4: {  	_ = 	snop  }
0x5: {  	_ = 	snop  }
0x6: {  	_ = 	snop  }
0x7: {  	_ = 	snop  }
__scs_overlays_trampoline_lowered:
0x8: {  	[smem:$0x3FAF] =	sst s0  }
0x9: {  	[smem:$0x3FB0] =	sst s1  }
0xa: {  	[smem:$0x3FB1] =	sst s2  }
0xb: {  	[smem:$0x3FB2] =	sst s3  }
0xc: {  	[smem:$0x3FB3] =	sst s4  }
0xd: {  	[smem:$0x3FB4] =	sst s5  }
0xe: {  	[smem:$0x3FB5] =	sst s6  }
0xf: {  	[smem:$0x3FB6] =	sst s7  }
0x10: {  	[smem:$0x3FB7] =	sst s8  }
0x11: {  	[smem:$0x3FB8] =	sst s9;
	s0 =	simm.s32 @!p0 $0x0  }
0x12: {  	s1 =	sld [smem:$0x3F9E];
	s0 =	simm.s32 @p0 $0x1  }
0x13: {  	[smem:$0x3FB9] =	sst s0;
	s0 =	simm.s32 @!p1 $0x0  }
0x14: {  	s2 =	sld [smem:$0x3F9D];
	s0 =	simm.s32 @p1 $0x1  }
0x15: {  	[smem:$0x3FBA] =	sst s0;
	s0 =	simm.s32 @!p2 $0x0  }
0x16: {  	s3 =	sld [smem:$0x3FDB];
	s0 =	simm.s32 @p2 $0x1  }
0x17: {  	s4 =	simm.s32 $0x1BF5;
	[smem:$0x3FBC] =	sst s0  }
0x18: {  	s0 =	sld [smem:$0x3F9F];
	_ =	swait.ge [sflag:s4], $0x0  }
0x19: {  	s7 =	sld [smem:$0x3FA0]  }
0x1a: {  	s8 =	sadd.s32 $0xFFFFE003, lr  }
0x1b: {  	s9 =	sadd.s32 $0xFFFFFEF7, lr;
	s5 =	simm.s32 $0xFFFFFFFF;
	p2 =	slt.u32 s8, $0xFFFFF086  }
0x1c: {  	p1 =	slt.u32 s9, $0xF7A;
	s5 =	simm.s32 @!p2 $0x0  }
0x1d: {  	s5 =	simm.s32 @p1 $0x1;
	p0 =	seq.s32 s7, s2  }
0x1e: {  	s7 =	smul.u32 @!p0 $0xF7A, s2;
	p2 =	seq.s32 @!p0 s5, $0x0  }
0x1f: {  	s9 =	smul.u32 $0xF7A, s1;
	s8 =	simm.s32 @!p0 $0x1BF5;
	p2 =	por !p2, p0  }
0x20: {  	[sflag:s8] =	ssyncset.s32 @!p0 $0xFFFFF086;
	s6 =	sadd.s32 @!p0 s3, s7;
	s7 =	simm.s32 @!p0 $0x108  }
0x21: {  	s3 =	sadd.s32 s3, s9;
	s6 =	sadd.s32 @!p0 $0x88, s6;
	s7 =	simm.s32 @p2 $0x1082  }
0x22: {  	[simem:s7], [sflag:s8] =	dma.local @!p0 [hbm:s6], $0xF7A  }
0x23: {  	s9 =	sor.u32 $0xD0000000, s2;
	s6 =	simm.s32 $0x108;
	_ =	swait.ge @!p0 [sflag:s8], $0x0  }
0x24: {  	s3 =	sadd.s32 $0x88, s3;
	s6 =	simm.s32 @!p1 $0x1082;
	[sflag:s4] =	ssyncset.s32 $0xFFFFF086  }
0x25: {  	[simem:s6], [sflag:s4] =	dma.local [hbm:s3], $0xF7A  }
0x26: {  	[smem:$0x3FA0] =	sst s1;
	(tag) =	ssettag s2;
	_ =	strace s9  }
0x27: {  	s1 =	sld [smem:$0x3FB0]  }
0x28: {  	s2 =	sld [smem:$0x3FB1]  }
0x29: {  	s4 =	sld [smem:$0x3FB3]  }
0x2a: {  	p0 =	seq.s32 s5, $0x0;
	s5 =	sld [smem:$0x3FB4]  }
0x2b: {  	s6 =	sld [smem:$0x3FB5]  }
0x2c: {  	s7 =	sld [smem:$0x3FB6]  }
0x2d: {  	s3 =	simm.s32 $0x108;
	s8 =	sld [smem:$0x3FB7]  }
0x2e: {  	s3 =	simm.s32 @!p0 $0x1082;
	s9 =	sld [smem:$0x3FB8]  }
0x2f: {  	lr =	sadd.s32 s0, s3;
	s0 =	sld [smem:$0x3FAF]  }
0x30: {  	s3 =	sld [smem:$0x3FB2]  }
0x31: {  	[smem:$0x3FBB] =	sst s10  }
0x32: {  	s10 =	sld [smem:$0x3FB9];
	_ =	sdelay $0x3  }
0x33: {  	p0 =	seq.s32 s10, $0x1;
	s10 =	sld [smem:$0x3FBB];
	_ =	sdelay $0x3  }
0x34: {  	[smem:$0x3FBB] =	sst s10  }
0x35: {  	s10 =	sld [smem:$0x3FBA];
	_ =	sdelay $0x3  }
0x36: {  	p1 =	seq.s32 s10, $0x1;
	s10 =	sld [smem:$0x3FBB];
	_ =	sdelay $0x3  }
0x37: {  	[smem:$0x3FBB] =	sst s10  }
0x38: {  	s10 =	sld [smem:$0x3FBC]  }
0x39: {  	_ = 	snop;
	(pc) =	sbr.ind lr, $3  }
0x3a: {  	_ = 	snop  }
0x3b: {  	_ = 	snop  }
0x3c: {  	p2 =	seq.s32 s10, $0x1;
	s10 =	sld [smem:$0x3FBB]  }
0x3d: {  	_ =	shalt  }
0x3e: {  	_ =	shalt  }
0x3f: {  	_ =	shalt  }
0x40: {  	_ =	shalt  }
0x41: {  	_ =	shalt  }
0x42: {  	_ =	shalt  }
0x43: {  	_ =	shalt  }
0x44: {  	_ =	shalt  }
0x45: {  	_ =	shalt  }
0x46: {  	_ =	shalt  }
0x47: {  	_ =	shalt  }
0x48: {  	_ =	shalt  }
0x49: {  	_ =	shalt  }
0x4a: {  	_ =	shalt  }
0x4b: {  	_ =	shalt  }
0x4c: {  	_ =	shalt  }
0x4d: {  	_ =	shalt  }
0x4e: {  	_ =	shalt  }
0x4f: {  	_ =	shalt  }
0x50: {  	_ =	shalt  }
0x51: {  	_ =	shalt  }
0x52: {  	_ =	shalt  }
0x53: {  	_ =	shalt  }
0x54: {  	_ =	shalt  }
0x55: {  	_ =	shalt  }
0x56: {  	_ =	shalt  }
0x57: {  	_ =	shalt  }
0x58: {  	_ =	shalt  }
0x59: {  	_ =	shalt  }
0x5a: {  	_ =	shalt  }
0x5b: {  	_ =	shalt  }
0x5c: {  	_ =	shalt  }
0x5d: {  	_ =	shalt  }
0x5e: {  	_ =	shalt  }
0x5f: {  	_ =	shalt  }
0x60: {  	_ =	shalt  }
0x61: {  	_ =	shalt  }
0x62: {  	_ =	shalt  }
0x63: {  	_ =	shalt  }
0x64: {  	_ =	shalt  }
0x65: {  	_ =	shalt  }
0x66: {  	_ =	shalt  }
0x67: {  	_ =	shalt  }
0x68: {  	_ =	shalt  }
0x69: {  	_ =	shalt  }
0x6a: {  	_ =	shalt  }
0x6b: {  	_ =	shalt  }
0x6c: {  	_ =	shalt  }
0x6d: {  	_ =	shalt  }
0x6e: {  	_ =	shalt  }
0x6f: {  	_ =	shalt  }
0x70: {  	_ =	shalt  }
0x71: {  	_ =	shalt  }
0x72: {  	_ =	shalt  }
0x73: {  	_ =	shalt  }
0x74: {  	_ =	shalt  }
0x75: {  	_ =	shalt  }
0x76: {  	_ =	shalt  }
0x77: {  	_ =	shalt  }
0x78: {  	_ =	shalt  }
0x79: {  	_ =	shalt  }
0x7a: {  	_ =	shalt  }
0x7b: {  	_ =	shalt  }
0x7c: {  	_ =	shalt  }
0x7d: {  	_ =	shalt  }
0x7e: {  	_ =	shalt  }
0x7f: {  	_ =	shalt  }
0x80: {  	_ =	shalt  }
0x81: {  	_ =	shalt  }
0x82: {  	_ =	shalt  }
0x83: {  	_ =	shalt  }
0x84: {  	_ =	shalt  }
0x85: {  	_ =	shalt  }
0x86: {  	_ =	shalt  }
0x87: {  	_ =	shalt  }
.Lfunc_end0:
.L_simem_size_0:
called_computation_lowered:
.L_overlay_start_0:
0x88: {  	s2 =	sld [smem:$0x3FD9]  }
0x89: {  	s3 =	sld [smem:$0x3FFE];
	_ =	sdelay $0x1  }
0x8a: {  	s1 =	srdreg.scid  }
0x8b: {  	s0 =	sand.u32 $0x1, s1  }
0x8c: {  	s18 =	sshll.u32 s0, $0xA;
	s2 =	sadd.s32 s3, s2  }
0x8d: {  	s2 =	sadd.s32 s2, s18  }
0x8e: {  	[smem:$0x3FC7] =	sst s2  }
0x8f: {  	_ = 	snop  }
0x90: {  	s2 =	sld [smem:$0x3FC9]  }
0x91: {  	s19 =	sld [smem:$0x3FD0];
	(tm) =	ssettm $0x1  }
0x92: {  	s4 =	sld [smem:$0x3FFB];
	_ =	sdelay $0x3  }
0x93: {  	_ =	strace s4  }
0x94: {  	s4 =	sld [smem:$0x3FFC];
	_ =	sdelay $0x3  }
0x95: {  	_ =	strace s4  }
0x96: {  	s4 =	sld [smem:$0x3FFD];
	_ =	sdelay $0x3  }
0x97: {  	_ =	strace s4  }
0x98: {  	_ =	strace $0x8FFFFFFF  }
0x99: {  	s20 =	sld [smem:$0x3FDB];
	_ =	sdelay $0x1  }
0x9a: {  	s5 =	simm.s32 $_scs_section_size  }
0x9b: {  	s6 =	simm.s32 $_size__tile_overlayer_lowered;
	s7 =	simm.s32 $_tile_overlayer_lowered  }
0x9c: {  	s23 =	simm.s32 $0x1BFF;
	s22 =	sshll.u32 s7, $0x1;
	s4 =	sadd.s32 s5, s20  }
0x9d: {  	s8 =	simm.s32 $0x0;
	s21 =	sshll.u32 s6, $0x1;
	s6 =	sadd.s32 s22, s4  }
0x9e: {  	[timem:s8], [sflag:s23] =	dma.local [hbm:s6], s21  }
0x9f: {  	_ =	swait.ge [sflag:s23], s21  }
0xa0: {  	s5 =	ssub.s32 $0x0, s21;
	[sflag:s23] =	ssyncset.done $0x0  }
0xa1: {  	[sflag:s23] =	ssyncadd.s32 s5;
	_ =	sdelay $0x1  }
0xa2: {  	s24 =	simm.s32 $0x1B8B  }
0xa3: {  	_ =	swait.ge [sflag:s24], $0x1  }
0xa4: {  	[sflag:s24] =	ssyncset.done $0x0  }
0xa5: {  	s25 =	simm.s32 $0x1B8E;
	[sflag:s24] =	ssyncadd.s32 $0xFFFFFFFF  }
0xa6: {  	s26 =	simm.s32 $execute0_lowered;
	[smem:$0x3FD2] =	sst s25  }
0xa7: {  	s5 =	sshll.u32 s26, $0x1;
	_ =	strace $0x80000046;
	[dreg:$0x1] =	wrdreg $0xFFFFFFFF  }
0xa8: {  	s28 =	simm.s32 $_size_execute0_lowered;
	s4 =	sadd.s32 s4, s5;
	[dreg:$0x0] =	wrdreg $0x0  }
0xa9: {  	s5 =	sshll.u32 s28, $0x1;
	[dreg:$0x2] =	wrdreg s4  }
0xaa: {  	[dreg:$0x3] =	wrdreg s5  }
0xab: {  	[dreg:$0x4] =	wrdreg $0xC0  }
0xac: {  	_ =	task [dreg:s8], $0x5FFFF  }
0xad: {  	[dreg:$0x1] =	wrdreg $0xFFFFFFFF  }
0xae: {  	[dreg:$0x0] =	wrdreg $0x60  }
0xaf: {  	[dreg:$0x2] =	wrdreg s2  }
0xb0: {  	[dreg:$0x3] =	wrdreg s19  }
0xb1: {  	[dreg:$0x4] =	wrdreg $0x88000  }
0xb2: {  	[dreg:$0x5] =	wrdreg $0x9  }
0xb3: {  	_ =	task.clear_ibuf [dreg:s8], $0x6FFFF;
	_ =	strace $0x90000046  }
0xb4: {  	s29 =	simm.s32 $0x9;
	_ =	strace $0x80000048  }
0xb5: {  	_ =	swait.ge [sflag:s29], $0x1  }
0xb6: {  	[sflag:s29] =	ssyncadd.s32 $0xFFFFFFFF  }
0xb7: {  	_ =	strace $0x90000048  }
0xb8: {  	_ =	sfence  }
0xb9: {  	s30 =	sld [smem:$0x0];
	_ =	sdelay $0x2  }
0xba: {  	s31 =	sshll.u32 s1, $0xD;
	s1 =	sshrl.u32 s1, $0x2  }
0xbb: {  	s3 =	sand.u32 $0x4000, s31;
	s1 =	sadd.s32 s1, s30  }
0xbc: {  	s0 =	sor.u32 s3, s0;
	s1 =	sshll.u32 s1, $0x11  }
0xbd: {  	s0 =	sor.u32 s1, s0  }
0xbe: {  	s0 =	sadd.s32 $0x8F2B, s0  }
0xbf: {  	[sflag:s0] =	ssyncadd.remote.s32 $0x1  }
0xc0: {  	_ =	sfence.sel $0xFFFF  }
0xc1: {  	[dreg:$0x0] =	wrdreg $0xFFFFFFFF;
	(pc) =	sbr.abs _section_cstart, $3  }
0xc2: {  	[dreg:$0x1] =	wrdreg $0xFFFFFFFF  }
0xc3: {  	_ =	task.clear_ibuf [dreg:s8], $0x2FFFF;
	_ =	strace $0x9FFFFFFF  }
0xc4: {  	(tm) =	ssettm $0x7FFFFFFF  }
0xc5: {  	_ =	shalt  }
tec
execute0_lowered:
.L_overlay_start_1:
0x0: {  	(tag) =	ssettag $0x1  }
0x1: {  	s0 =	rddreg [dreg:$0x0]  }
0x2: {  	s2 =	rddreg [dreg:$0x1]  }
0x3: {  	s3 =	rddreg [dreg:$0x2]  }
0x4: {  	s1 =	srdreg.scid;
	s9 =	stileid.u32;
	s4 =	simm.s32 $0x0  }
0x5: {  	s13 =	simm.s32 $0x800;
	s14 =	simm.s32 $0x1;
	s15 =	simm.s32 $0x80  }
0x6: {  	s16 =	simm.s32 $0x100;
	s17 =	simm.s32 $0x180;
	s18 =	simm.s32 $0x200  }
0x7: {  	s19 =	simm.s32 $0x280;
	s20 =	simm.s32 $0x300;
	s21 =	simm.s32 $0x380  }
0x8: {  	s22 =	simm.s32 $0x400;
	s28 =	simm.s32 $0x680;
	s29 =	simm.s32 $0x700  }
0x9: {  	s30 =	simm.s32 $0x780;
	s1 =	sand.u32 $0x1, s1;
	s5 =	smul.u32 $0x50000, s9  }
0xa: {  	s31 =	simm.s32 $0x4800;
	[smem:$0x7FF] =	sst s4;
	s6 =	ssub.s32 $0x2, s1  }
0xb: {  	s24 =	smul.u32 $0xA00, s9;
	s7 =	sshrl.u32 s6, $0x1;
	s8 =	sshrl.u32 s5, $0x2  }
0xc: {  	_ =	strace $0x80000047;
	s7 =	ssub.s32 s6, s7;
	s6 =	sadd.s32 s8, s3  }
0xd: {  	p0 =	sne.s32 s1, $0x0;
	s5 =	smul.u32 $0x280, s9;
	s8 =	sadd.s32 $0x4000, s6  }
.Ltmp0:
0xe: {  	s23 =	sadd.s32 $0x8000, s6;
	[dreg:$0x4] =	wrdreg s8;
	(pc) =	sbr.rel .LBB2_1-.Ltmp0, $4  }
0xf: {  	s12 =	sadd.s32 s24, s0;
	s25 =	sadd.s32 $0xC000, s6;
	[dreg:$0x5] =	wrdreg s23  }
0x10: {  	s24 =	simm.s32 $0x500;
	s26 =	sadd.s32 $0x10000, s6;
	[dreg:$0x6] =	wrdreg s25  }
0x11: {  	s0 =	simm.s32 $0x0;
	s11 =	smax.u32 s7, $0x1;
	[dreg:$0x7] =	wrdreg s26  }
0x12: {  	v0 =	vimm.f32 $0.0e+00;
	v1 =	vimm.f32 $1.000000000e+00;
	s23 =	simm.s32 $0x480;
	s25 =	simm.s32 $0x580;
	s26 =	simm.s32 $0x600  }
.LBB2_11:
0x13: {  	s0 =	sadd.s32 $0x1, s0  }
0x14: {  	p1 =	sne.s32 s0, s11  }
.Ltmp1:
0x15: {  	_ = 	snop;
	(pc) =	sbr.rel @!p1 .LBB2_12-.Ltmp1, $1  }
0x16: {  	_ =	sdelay $0x3  }
.LBB2_1:
0x17: {  	s1 =	simm.s32 $0x0;
	s7 =	simm.s32 $0x200  }
.LBB2_2:
0x18: {  	p1 =	sne.s32 s7, $0xFE00;
	[tilespmem:s1+$0x870] =	vst v0  }
0x19: {  	[tilespmem:s1+$0x800] =	vst v0  }
0x1a: {  	[tilespmem:s1+$0x810] =	vst v0  }
.Ltmp2:
0x1b: {  	[tilespmem:s1+$0x820] =	vst v0;
	(pc) =	sbr.rel @p1 .LBB2_2-.Ltmp2, $4  }
0x1c: {  	[tilespmem:s1+$0x830] =	vst v0  }
0x1d: {  	[tilespmem:s1+$0x840] =	vst v0  }
0x1e: {  	[tilespmem:s1+$0x850] =	vst v0  }
0x1f: {  	[tilespmem:s1+$0x860] =	vst v0;
	s1 =	sshra.s32 s7, $0x2;
	s7 =	sadd.s32 $0x200, s7  }
0x20: {  	[tilespmem:s1+$0x870] =	vst v0  }
0x21: {  	[tilespmem:s1+$0x800] =	vst v0  }
0x22: {  	[tilespmem:s1+$0x810] =	vst v0  }
0x23: {  	[tilespmem:s1+$0x820] =	vst v0  }
0x24: {  	[tilespmem:s1+$0x830] =	vst v0  }
0x25: {  	[tilespmem:s1+$0x840] =	vst v0  }
0x26: {  	[tilespmem:s1+$0x850] =	vst v0  }
0x27: {  	[tilespmem:s1+$0x860] =	vst v0  }
0x28: {  	[spmem:s6] =	stream.linear.scatter [tilespmem:s13], [sflag:$0x1], $0x4000, $0x38;
	[tilespmem:$0x1C800] =	vst v63  }
0x29: {  	_ =	swait.ge [sflag:s14], $0x4000  }
0x2a: {  	[sflag:s14] =	ssyncset.done $0x0  }
0x2b: {  	s7 =	rddreg [dreg:$0x4];
	[sflag:s14] =	ssyncadd.s32 $0xFFFFC000  }
0x2c: {  	[spmem:s7] =	stream.linear.scatter [tilespmem:s13], [sflag:$0x1], $0x4000, $0x38;
	[tilespmem:$0x1C800] =	vst v63  }
0x2d: {  	_ =	swait.ge [sflag:s14], $0x4000  }
0x2e: {  	[sflag:s14] =	ssyncset.done $0x0  }
0x2f: {  	s8 =	rddreg [dreg:$0x5];
	[sflag:s14] =	ssyncadd.s32 $0xFFFFC000  }
0x30: {  	[spmem:s8] =	stream.linear.scatter [tilespmem:s13], [sflag:$0x1], $0x4000, $0x38;
	[tilespmem:$0x1C800] =	vst v63  }
0x31: {  	_ =	swait.ge [sflag:s14], $0x4000  }
0x32: {  	[sflag:s14] =	ssyncset.done $0x0  }
0x33: {  	s9 =	rddreg [dreg:$0x6];
	[sflag:s14] =	ssyncadd.s32 $0xFFFFC000  }
0x34: {  	[spmem:s9] =	stream.linear.scatter [tilespmem:s13], [sflag:$0x1], $0x4000, $0x38;
	[tilespmem:$0x1C800] =	vst v63  }
0x35: {  	_ =	swait.ge [sflag:s14], $0x4000  }
0x36: {  	[sflag:s14] =	ssyncset.done $0x0  }
0x37: {  	s10 =	rddreg [dreg:$0x7];
	[sflag:s14] =	ssyncadd.s32 $0xFFFFC000  }
0x38: {  	[spmem:s10] =	stream.linear.scatter [tilespmem:s13], [sflag:$0x1], $0x4000, $0x38;
	[tilespmem:$0x1C800] =	vst v63  }
0x39: {  	_ =	swait.ge [sflag:s14], $0x4000  }
0x3a: {  	[sflag:s14] =	ssyncset.done $0x0  }
0x3b: {  	s1 =	simm.s32 $0x0;
	s7 =	simm.s32 $0x200;
	[sflag:s14] =	ssyncadd.s32 $0xFFFFC000  }
.LBB2_4:
0x3c: {  	p1 =	sne.s32 s7, $0xFE00;
	[tilespmem:s1+$0x870] =	vst v1  }
0x3d: {  	[tilespmem:s1+$0x800] =	vst v1  }
0x3e: {  	[tilespmem:s1+$0x810] =	vst v1  }
.Ltmp3:
0x3f: {  	[tilespmem:s1+$0x820] =	vst v1;
	(pc) =	sbr.rel @p1 .LBB2_4-.Ltmp3, $4  }
0x40: {  	[tilespmem:s1+$0x830] =	vst v1  }
0x41: {  	[tilespmem:s1+$0x840] =	vst v1  }
0x42: {  	[tilespmem:s1+$0x850] =	vst v1  }
0x43: {  	[tilespmem:s1+$0x860] =	vst v1;
	s1 =	sshra.s32 s7, $0x2;
	s7 =	sadd.s32 $0x200, s7  }
0x44: {  	[tilespmem:s1+$0x870] =	vst v1  }
0x45: {  	[tilespmem:s1+$0x800] =	vst v1  }
0x46: {  	[tilespmem:s1+$0x810] =	vst v1  }
0x47: {  	[tilespmem:s1+$0x820] =	vst v1  }
0x48: {  	[tilespmem:s1+$0x830] =	vst v1  }
0x49: {  	[tilespmem:s1+$0x840] =	vst v1  }
0x4a: {  	[tilespmem:s1+$0x850] =	vst v1  }
0x4b: {  	[tilespmem:s1+$0x860] =	vst v1  }
0x4c: {  	s10 =	sadd.s32 $0x0, s12;
	[bflag:$0x0] =	sbarrier.arrive $0xFFFF  }
0x4d: {  	[tilespmem:s4], [sflag:$0x1] =	stream.linear.gather [hbm4b:s10+s4], $0x800, $0x38;
	[tilespmem:$0x1C800] =	vst v63  }
0x4e: {  	_ =	swait.ge [sflag:s14], $0x800  }
0x4f: {  	[sflag:s14] =	ssyncset.done $0x0  }
0x50: {  	[sflag:s14] =	ssyncadd.s32 $0xFFFFF800  }
0x51: {  	[spmem:s3] =	stream.indirect.scatter.add.f32 [tilespmem:s13], [sflag:$0x1], $0x80, s4, s15, $0xb8;
	[tilespmem:$0x1C800] =	vst v63  }
0x52: {  	_ =	swait.ge [sflag:s14], $0x4000  }
0x53: {  	[sflag:s14] =	ssyncset.done $0x0  }
0x54: {  	[sflag:s14] =	ssyncadd.s32 $0xFFFFC000  }
0x55: {  	[spmem:s3] =	stream.indirect.scatter.add.f32 [tilespmem:s13], [sflag:$0x1], $0x80, s15, s15, $0xb8;
	[tilespmem:$0x1C800] =	vst v63  }
0x56: {  	_ =	swait.ge [sflag:s14], $0x4000  }
0x57: {  	[sflag:s14] =	ssyncset.done $0x0  }
0x58: {  	[sflag:s14] =	ssyncadd.s32 $0xFFFFC000  }
0x59: {  	[spmem:s3] =	stream.indirect.scatter.add.f32 [tilespmem:s13], [sflag:$0x1], $0x80, s16, s15, $0xb8;
	[tilespmem:$0x1C800] =	vst v63  }
0x5a: {  	_ =	swait.ge [sflag:s14], $0x4000  }
0x5b: {  	[sflag:s14] =	ssyncset.done $0x0  }
0x5c: {  	[sflag:s14] =	ssyncadd.s32 $0xFFFFC000  }
0x5d: {  	[spmem:s3] =	stream.indirect.scatter.add.f32 [tilespmem:s13], [sflag:$0x1], $0x80, s17, s15, $0xb8;
	[tilespmem:$0x1C800] =	vst v63  }
0x5e: {  	_ =	swait.ge [sflag:s14], $0x4000  }
0x5f: {  	[sflag:s14] =	ssyncset.done $0x0  }
0x60: {  	[sflag:s14] =	ssyncadd.s32 $0xFFFFC000  }
0x61: {  	[spmem:s3] =	stream.indirect.scatter.add.f32 [tilespmem:s13], [sflag:$0x1], $0x80, s18, s15, $0xb8;
	[tilespmem:$0x1C800] =	vst v63  }
0x62: {  	_ =	swait.ge [sflag:s14], $0x4000  }
0x63: {  	[sflag:s14] =	ssyncset.done $0x0  }
0x64: {  	[sflag:s14] =	ssyncadd.s32 $0xFFFFC000  }
0x65: {  	[spmem:s3] =	stream.indirect.scatter.add.f32 [tilespmem:s13], [sflag:$0x1], $0x80, s19, s15, $0xb8;
	[tilespmem:$0x1C800] =	vst v63  }
0x66: {  	_ =	swait.ge [sflag:s14], $0x4000  }
0x67: {  	[sflag:s14] =	ssyncset.done $0x0  }
0x68: {  	[sflag:s14] =	ssyncadd.s32 $0xFFFFC000  }
0x69: {  	[spmem:s3] =	stream.indirect.scatter.add.f32 [tilespmem:s13], [sflag:$0x1], $0x80, s20, s15, $0xb8;
	[tilespmem:$0x1C800] =	vst v63  }
0x6a: {  	_ =	swait.ge [sflag:s14], $0x4000  }
0x6b: {  	[sflag:s14] =	ssyncset.done $0x0  }
0x6c: {  	[sflag:s14] =	ssyncadd.s32 $0xFFFFC000  }
0x6d: {  	[spmem:s3] =	stream.indirect.scatter.add.f32 [tilespmem:s13], [sflag:$0x1], $0x80, s21, s15, $0xb8;
	[tilespmem:$0x1C800] =	vst v63  }
0x6e: {  	_ =	swait.ge [sflag:s14], $0x4000  }
0x6f: {  	[sflag:s14] =	ssyncset.done $0x0  }
0x70: {  	[sflag:s14] =	ssyncadd.s32 $0xFFFFC000  }
0x71: {  	[spmem:s3] =	stream.indirect.scatter.add.f32 [tilespmem:s13], [sflag:$0x1], $0x80, s22, s15, $0xb8;
	[tilespmem:$0x1C800] =	vst v63  }
0x72: {  	_ =	swait.ge [sflag:s14], $0x4000  }
0x73: {  	[sflag:s14] =	ssyncset.done $0x0  }
0x74: {  	[sflag:s14] =	ssyncadd.s32 $0xFFFFC000  }
0x75: {  	[spmem:s3] =	stream.indirect.scatter.add.f32 [tilespmem:s13], [sflag:$0x1], $0x80, s23, s15, $0xb8;
	[tilespmem:$0x1C800] =	vst v63  }
0x76: {  	_ =	swait.ge [sflag:s14], $0x4000  }
0x77: {  	[sflag:s14] =	ssyncset.done $0x0  }
0x78: {  	[sflag:s14] =	ssyncadd.s32 $0xFFFFC000  }
0x79: {  	[spmem:s3] =	stream.indirect.scatter.add.f32 [tilespmem:s13], [sflag:$0x1], $0x80, s24, s15, $0xb8;
	[tilespmem:$0x1C800] =	vst v63  }
0x7a: {  	_ =	swait.ge [sflag:s14], $0x4000  }
0x7b: {  	[sflag:s14] =	ssyncset.done $0x0  }
0x7c: {  	[sflag:s14] =	ssyncadd.s32 $0xFFFFC000  }
0x7d: {  	[spmem:s3] =	stream.indirect.scatter.add.f32 [tilespmem:s13], [sflag:$0x1], $0x80, s25, s15, $0xb8;
	[tilespmem:$0x1C800] =	vst v63  }
0x7e: {  	_ =	swait.ge [sflag:s14], $0x4000  }
0x7f: {  	[sflag:s14] =	ssyncset.done $0x0  }
0x80: {  	[sflag:s14] =	ssyncadd.s32 $0xFFFFC000  }
0x81: {  	[spmem:s3] =	stream.indirect.scatter.add.f32 [tilespmem:s13], [sflag:$0x1], $0x80, s26, s15, $0xb8;
	[tilespmem:$0x1C800] =	vst v63  }
0x82: {  	_ =	swait.ge [sflag:s14], $0x4000  }
0x83: {  	[sflag:s14] =	ssyncset.done $0x0  }
0x84: {  	[sflag:s14] =	ssyncadd.s32 $0xFFFFC000  }
0x85: {  	[spmem:s3] =	stream.indirect.scatter.add.f32 [tilespmem:s13], [sflag:$0x1], $0x80, s28, s15, $0xb8;
	[tilespmem:$0x1C800] =	vst v63  }
0x86: {  	_ =	swait.ge [sflag:s14], $0x4000  }
0x87: {  	[sflag:s14] =	ssyncset.done $0x0  }
0x88: {  	[sflag:s14] =	ssyncadd.s32 $0xFFFFC000  }
0x89: {  	[spmem:s3] =	stream.indirect.scatter.add.f32 [tilespmem:s13], [sflag:$0x1], $0x80, s29, s15, $0xb8;
	[tilespmem:$0x1C800] =	vst v63  }
0x8a: {  	_ =	swait.ge [sflag:s14], $0x4000  }
0x8b: {  	[sflag:s14] =	ssyncset.done $0x0  }
0x8c: {  	[sflag:s14] =	ssyncadd.s32 $0xFFFFC000  }
0x8d: {  	[spmem:s3] =	stream.indirect.scatter.add.f32 [tilespmem:s13], [sflag:$0x1], $0x80, s30, s15, $0xb8;
	[tilespmem:$0x1C800] =	vst v63  }
0x8e: {  	_ =	swait.ge [sflag:s14], $0x4000  }
0x8f: {  	s1 =	simm.s32 $0x100;
	s8 =	simm.s32 $0x200;
	[sflag:s14] =	ssyncset.done $0x0  }
.LBB2_6:
0x90: {  	s9 =	sadd.s32 s1, s12  }
0x91: {  	[sflag:s14] =	ssyncadd.s32 $0xFFFFC000;
	s1 =	smov.u32 s8;
	s7 =	sadd.s32 $0x100, s8  }
0x92: {  	[tilespmem:s4], [sflag:$0x1] =	stream.linear.gather [hbm4b:s9+s4], $0x800, $0x38;
	[tilespmem:$0x1C800] =	vst v63  }
0x93: {  	p1 =	sne.s32 s8, $0x900;
	_ =	swait.ge [sflag:s14], $0x800  }
0x94: {  	[sflag:s14] =	ssyncset.done $0x0  }
0x95: {  	[sflag:s14] =	ssyncadd.s32 $0xFFFFF800  }
0x96: {  	[spmem:s3] =	stream.indirect.scatter.add.f32 [tilespmem:s13], [sflag:$0x1], $0x80, s4, s15, $0xb8;
	[tilespmem:$0x1C800] =	vst v63  }
0x97: {  	_ =	swait.ge [sflag:s14], $0x4000  }
0x98: {  	[sflag:s14] =	ssyncset.done $0x0  }
0x99: {  	[sflag:s14] =	ssyncadd.s32 $0xFFFFC000  }
0x9a: {  	[spmem:s3] =	stream.indirect.scatter.add.f32 [tilespmem:s13], [sflag:$0x1], $0x80, s15, s15, $0xb8;
	[tilespmem:$0x1C800] =	vst v63  }
0x9b: {  	_ =	swait.ge [sflag:s14], $0x4000  }
0x9c: {  	[sflag:s14] =	ssyncset.done $0x0  }
0x9d: {  	[sflag:s14] =	ssyncadd.s32 $0xFFFFC000  }
0x9e: {  	[spmem:s3] =	stream.indirect.scatter.add.f32 [tilespmem:s13], [sflag:$0x1], $0x80, s16, s15, $0xb8;
	[tilespmem:$0x1C800] =	vst v63  }
0x9f: {  	_ =	swait.ge [sflag:s14], $0x4000  }
0xa0: {  	[sflag:s14] =	ssyncset.done $0x0  }
0xa1: {  	[sflag:s14] =	ssyncadd.s32 $0xFFFFC000  }
0xa2: {  	[spmem:s3] =	stream.indirect.scatter.add.f32 [tilespmem:s13], [sflag:$0x1], $0x80, s17, s15, $0xb8;
	[tilespmem:$0x1C800] =	vst v63  }
0xa3: {  	_ =	swait.ge [sflag:s14], $0x4000  }
0xa4: {  	[sflag:s14] =	ssyncset.done $0x0  }
0xa5: {  	[sflag:s14] =	ssyncadd.s32 $0xFFFFC000  }
0xa6: {  	[spmem:s3] =	stream.indirect.scatter.add.f32 [tilespmem:s13], [sflag:$0x1], $0x80, s18, s15, $0xb8;
	[tilespmem:$0x1C800] =	vst v63  }
0xa7: {  	_ =	swait.ge [sflag:s14], $0x4000  }
0xa8: {  	[sflag:s14] =	ssyncset.done $0x0  }
0xa9: {  	[sflag:s14] =	ssyncadd.s32 $0xFFFFC000  }
0xaa: {  	[spmem:s3] =	stream.indirect.scatter.add.f32 [tilespmem:s13], [sflag:$0x1], $0x80, s19, s15, $0xb8;
	[tilespmem:$0x1C800] =	vst v63  }
0xab: {  	_ =	swait.ge [sflag:s14], $0x4000  }
0xac: {  	[sflag:s14] =	ssyncset.done $0x0  }
0xad: {  	[sflag:s14] =	ssyncadd.s32 $0xFFFFC000  }
0xae: {  	[spmem:s3] =	stream.indirect.scatter.add.f32 [tilespmem:s13], [sflag:$0x1], $0x80, s20, s15, $0xb8;
	[tilespmem:$0x1C800] =	vst v63  }
0xaf: {  	_ =	swait.ge [sflag:s14], $0x4000  }
0xb0: {  	[sflag:s14] =	ssyncset.done $0x0  }
0xb1: {  	[sflag:s14] =	ssyncadd.s32 $0xFFFFC000  }
0xb2: {  	[spmem:s3] =	stream.indirect.scatter.add.f32 [tilespmem:s13], [sflag:$0x1], $0x80, s21, s15, $0xb8;
	[tilespmem:$0x1C800] =	vst v63  }
0xb3: {  	_ =	swait.ge [sflag:s14], $0x4000  }
0xb4: {  	[sflag:s14] =	ssyncset.done $0x0  }
0xb5: {  	[sflag:s14] =	ssyncadd.s32 $0xFFFFC000  }
0xb6: {  	[spmem:s3] =	stream.indirect.scatter.add.f32 [tilespmem:s13], [sflag:$0x1], $0x80, s22, s15, $0xb8;
	[tilespmem:$0x1C800] =	vst v63  }
0xb7: {  	_ =	swait.ge [sflag:s14], $0x4000  }
0xb8: {  	[sflag:s14] =	ssyncset.done $0x0  }
0xb9: {  	[sflag:s14] =	ssyncadd.s32 $0xFFFFC000  }
0xba: {  	[spmem:s3] =	stream.indirect.scatter.add.f32 [tilespmem:s13], [sflag:$0x1], $0x80, s23, s15, $0xb8;
	[tilespmem:$0x1C800] =	vst v63  }
0xbb: {  	_ =	swait.ge [sflag:s14], $0x4000  }
0xbc: {  	[sflag:s14] =	ssyncset.done $0x0  }
0xbd: {  	[sflag:s14] =	ssyncadd.s32 $0xFFFFC000  }
0xbe: {  	[spmem:s3] =	stream.indirect.scatter.add.f32 [tilespmem:s13], [sflag:$0x1], $0x80, s24, s15, $0xb8;
	[tilespmem:$0x1C800] =	vst v63  }
0xbf: {  	_ =	swait.ge [sflag:s14], $0x4000  }
0xc0: {  	[sflag:s14] =	ssyncset.done $0x0  }
0xc1: {  	[sflag:s14] =	ssyncadd.s32 $0xFFFFC000  }
0xc2: {  	[spmem:s3] =	stream.indirect.scatter.add.f32 [tilespmem:s13], [sflag:$0x1], $0x80, s25, s15, $0xb8;
	[tilespmem:$0x1C800] =	vst v63  }
0xc3: {  	_ =	swait.ge [sflag:s14], $0x4000  }
0xc4: {  	[sflag:s14] =	ssyncset.done $0x0  }
0xc5: {  	[sflag:s14] =	ssyncadd.s32 $0xFFFFC000  }
0xc6: {  	[spmem:s3] =	stream.indirect.scatter.add.f32 [tilespmem:s13], [sflag:$0x1], $0x80, s26, s15, $0xb8;
	[tilespmem:$0x1C800] =	vst v63  }
0xc7: {  	_ =	swait.ge [sflag:s14], $0x4000  }
0xc8: {  	[sflag:s14] =	ssyncset.done $0x0  }
0xc9: {  	[sflag:s14] =	ssyncadd.s32 $0xFFFFC000  }
0xca: {  	[spmem:s3] =	stream.indirect.scatter.add.f32 [tilespmem:s13], [sflag:$0x1], $0x80, s28, s15, $0xb8;
	[tilespmem:$0x1C800] =	vst v63  }
0xcb: {  	_ =	swait.ge [sflag:s14], $0x4000  }
0xcc: {  	[sflag:s14] =	ssyncset.done $0x0  }
0xcd: {  	[sflag:s14] =	ssyncadd.s32 $0xFFFFC000  }
0xce: {  	[spmem:s3] =	stream.indirect.scatter.add.f32 [tilespmem:s13], [sflag:$0x1], $0x80, s29, s15, $0xb8;
	[tilespmem:$0x1C800] =	vst v63  }
0xcf: {  	_ =	swait.ge [sflag:s14], $0x4000  }
.Ltmp4:
0xd0: {  	[sflag:s14] =	ssyncset.done $0x0;
	(pc) =	sbr.rel @p1 .LBB2_6-.Ltmp4, $4  }
0xd1: {  	[sflag:s14] =	ssyncadd.s32 $0xFFFFC000  }
0xd2: {  	[spmem:s3] =	stream.indirect.scatter.add.f32 [tilespmem:s13], [sflag:$0x1], $0x80, s30, s15, $0xb8;
	[tilespmem:$0x1C800] =	vst v63  }
0xd3: {  	_ =	swait.ge [sflag:s14], $0x4000  }
0xd4: {  	s8 =	smov.u32 s7;
	[sflag:s14] =	ssyncset.done $0x0  }
0xd5: {  	s1 =	sadd.s32 s1, s12;
	[sflag:s14] =	ssyncadd.s32 $0xFFFFC000  }
0xd6: {  	[tilespmem:s4], [sflag:$0x1] =	stream.linear.gather [hbm4b:s1+s4], $0x800, $0x38;
	[tilespmem:$0x1C800] =	vst v63  }
0xd7: {  	_ =	swait.ge [sflag:s14], $0x800  }
0xd8: {  	[sflag:s14] =	ssyncset.done $0x0  }
0xd9: {  	[sflag:s14] =	ssyncadd.s32 $0xFFFFF800  }
0xda: {  	[spmem:s3] =	stream.indirect.scatter.add.f32 [tilespmem:s13], [sflag:$0x1], $0x80, s4, s15, $0xb8;
	[tilespmem:$0x1C800] =	vst v63  }
0xdb: {  	_ =	swait.ge [sflag:s14], $0x4000  }
0xdc: {  	[sflag:s14] =	ssyncset.done $0x0  }
0xdd: {  	[sflag:s14] =	ssyncadd.s32 $0xFFFFC000  }
0xde: {  	[spmem:s3] =	stream.indirect.scatter.add.f32 [tilespmem:s13], [sflag:$0x1], $0x80, s15, s15, $0xb8;
	[tilespmem:$0x1C800] =	vst v63  }
0xdf: {  	_ =	swait.ge [sflag:s14], $0x4000  }
0xe0: {  	[sflag:s14] =	ssyncset.done $0x0  }
0xe1: {  	[sflag:s14] =	ssyncadd.s32 $0xFFFFC000  }
0xe2: {  	[spmem:s3] =	stream.indirect.scatter.add.f32 [tilespmem:s13], [sflag:$0x1], $0x80, s16, s15, $0xb8;
	[tilespmem:$0x1C800] =	vst v63  }
0xe3: {  	_ =	swait.ge [sflag:s14], $0x4000  }
0xe4: {  	[sflag:s14] =	ssyncset.done $0x0  }
0xe5: {  	[sflag:s14] =	ssyncadd.s32 $0xFFFFC000  }
0xe6: {  	[spmem:s3] =	stream.indirect.scatter.add.f32 [tilespmem:s13], [sflag:$0x1], $0x80, s17, s15, $0xb8;
	[tilespmem:$0x1C800] =	vst v63  }
0xe7: {  	_ =	swait.ge [sflag:s14], $0x4000  }
0xe8: {  	[sflag:s14] =	ssyncset.done $0x0  }
0xe9: {  	[sflag:s14] =	ssyncadd.s32 $0xFFFFC000  }
0xea: {  	[spmem:s3] =	stream.indirect.scatter.add.f32 [tilespmem:s13], [sflag:$0x1], $0x80, s18, s15, $0xb8;
	[tilespmem:$0x1C800] =	vst v63  }
0xeb: {  	_ =	swait.ge [sflag:s14], $0x4000  }
0xec: {  	[sflag:s14] =	ssyncset.done $0x0  }
0xed: {  	[sflag:s14] =	ssyncadd.s32 $0xFFFFC000  }
0xee: {  	[spmem:s3] =	stream.indirect.scatter.add.f32 [tilespmem:s13], [sflag:$0x1], $0x80, s19, s15, $0xb8;
	[tilespmem:$0x1C800] =	vst v63  }
0xef: {  	_ =	swait.ge [sflag:s14], $0x4000  }
0xf0: {  	[sflag:s14] =	ssyncset.done $0x0  }
0xf1: {  	[sflag:s14] =	ssyncadd.s32 $0xFFFFC000  }
0xf2: {  	[spmem:s3] =	stream.indirect.scatter.add.f32 [tilespmem:s13], [sflag:$0x1], $0x80, s20, s15, $0xb8;
	[tilespmem:$0x1C800] =	vst v63  }
0xf3: {  	_ =	swait.ge [sflag:s14], $0x4000  }
0xf4: {  	[sflag:s14] =	ssyncset.done $0x0  }
0xf5: {  	[sflag:s14] =	ssyncadd.s32 $0xFFFFC000  }
0xf6: {  	[spmem:s3] =	stream.indirect.scatter.add.f32 [tilespmem:s13], [sflag:$0x1], $0x80, s21, s15, $0xb8;
	[tilespmem:$0x1C800] =	vst v63  }
0xf7: {  	_ =	swait.ge [sflag:s14], $0x4000  }
0xf8: {  	[sflag:s14] =	ssyncset.done $0x0  }
0xf9: {  	[sflag:s14] =	ssyncadd.s32 $0xFFFFC000  }
0xfa: {  	[spmem:s3] =	stream.indirect.scatter.add.f32 [tilespmem:s13], [sflag:$0x1], $0x80, s22, s15, $0xb8;
	[tilespmem:$0x1C800] =	vst v63  }
0xfb: {  	_ =	swait.ge [sflag:s14], $0x4000  }
0xfc: {  	[sflag:s14] =	ssyncset.done $0x0  }
0xfd: {  	[sflag:s14] =	ssyncadd.s32 $0xFFFFC000  }
0xfe: {  	[spmem:s3] =	stream.indirect.scatter.add.f32 [tilespmem:s13], [sflag:$0x1], $0x80, s23, s15, $0xb8;
	[tilespmem:$0x1C800] =	vst v63  }
0xff: {  	_ =	swait.ge [sflag:s14], $0x4000  }
0x100: {  	[sflag:s14] =	ssyncset.done $0x0  }
0x101: {  	[sflag:s14] =	ssyncadd.s32 $0xFFFFC000  }
0x102: {  	[spmem:s3] =	stream.indirect.scatter.add.f32 [tilespmem:s13], [sflag:$0x1], $0x80, s24, s15, $0xb8;
	[tilespmem:$0x1C800] =	vst v63  }
0x103: {  	_ =	swait.ge [sflag:s14], $0x4000  }
0x104: {  	[sflag:s14] =	ssyncset.done $0x0  }
0x105: {  	[sflag:s14] =	ssyncadd.s32 $0xFFFFC000  }
0x106: {  	[spmem:s3] =	stream.indirect.scatter.add.f32 [tilespmem:s13], [sflag:$0x1], $0x80, s25, s15, $0xb8;
	[tilespmem:$0x1C800] =	vst v63  }
0x107: {  	_ =	swait.ge [sflag:s14], $0x4000  }
0x108: {  	[sflag:s14] =	ssyncset.done $0x0  }
0x109: {  	[sflag:s14] =	ssyncadd.s32 $0xFFFFC000  }
0x10a: {  	[spmem:s3] =	stream.indirect.scatter.add.f32 [tilespmem:s13], [sflag:$0x1], $0x80, s26, s15, $0xb8;
	[tilespmem:$0x1C800] =	vst v63  }
0x10b: {  	_ =	swait.ge [sflag:s14], $0x4000  }
0x10c: {  	[sflag:s14] =	ssyncset.done $0x0  }
0x10d: {  	[sflag:s14] =	ssyncadd.s32 $0xFFFFC000  }
0x10e: {  	[spmem:s3] =	stream.indirect.scatter.add.f32 [tilespmem:s13], [sflag:$0x1], $0x80, s28, s15, $0xb8;
	[tilespmem:$0x1C800] =	vst v63  }
0x10f: {  	_ =	swait.ge [sflag:s14], $0x4000  }
0x110: {  	[sflag:s14] =	ssyncset.done $0x0  }
0x111: {  	[sflag:s14] =	ssyncadd.s32 $0xFFFFC000  }
0x112: {  	[spmem:s3] =	stream.indirect.scatter.add.f32 [tilespmem:s13], [sflag:$0x1], $0x80, s29, s15, $0xb8;
	[tilespmem:$0x1C800] =	vst v63  }
0x113: {  	_ =	swait.ge [sflag:s14], $0x4000  }
0x114: {  	[sflag:s14] =	ssyncset.done $0x0  }
0x115: {  	[sflag:s14] =	ssyncadd.s32 $0xFFFFC000  }
0x116: {  	[spmem:s3] =	stream.indirect.scatter.add.f32 [tilespmem:s13], [sflag:$0x1], $0x80, s30, s15, $0xb8;
	[tilespmem:$0x1C800] =	vst v63  }
.Ltmp5:
0x117: {  	_ =	swait.ge [sflag:s14], $0x4000;
	(pc) =	sbr.rel @p0 .LBB2_11-.Ltmp5, $4  }
0x118: {  	[sflag:s14] =	ssyncset.done $0x0  }
0x119: {  	[sflag:s14] =	ssyncadd.s32 $0xFFFFC000  }
0x11a: {  	[bflag:$0x0] =	sbarrier.arrive $0xFFFF  }
0x11b: {  	s1 =	simm.s32 $0x0  }
.LBB2_8:
0x11c: {  	s7 =	sshll.u32 s1, $0x7  }
0x11d: {  	s7 =	sadd.s32 s5, s7  }
0x11e: {  	s8 =	sshll.u32 s7, $0x7  }
0x11f: {  	s8 =	sand.u32 $0x3FFFFF80, s8  }
0x120: {  	s8 =	sadd.s32 s8, s3  }
0x121: {  	[tilespmem:s31], [sflag:$0x1] =	stream.linear.gather [spmem:s8], $0x4000, $0x38;
	[tilespmem:$0x1C800] =	vst v63  }
0x122: {  	_ =	swait.ge [sflag:s14], $0x4000  }
0x123: {  	[sflag:s14] =	ssyncset.done $0x0  }
0x124: {  	s8 =	simm.s32 $0x0;
	[sflag:s14] =	ssyncadd.s32 $0xFFFFC000  }
0x125: {  	v6 =	vld [tilespmem:s8+$0x4800]  }
0x126: {  	v8 =	vld [tilespmem:s8+$0x4810]  }
0x127: {  	v5 =	vld [tilespmem:s8+$0x4820]  }
0x128: {  	v2 =	vld [tilespmem:s8+$0x4830]  }
0x129: {  	v3 =	vld [tilespmem:s8+$0x4840]  }
0x12a: {  	v4 =	vld [tilespmem:s8+$0x4850];
	v7 =	vadd.f32 $1.000000000e+00, v6  }
0x12b: {  	s9 =	simm.s32 $0x200;
	v8 =	vadd.f32 $1.000000000e+00, v8;
	v6 =	vld [tilespmem:s8+$0x4860]  }
.LBB2_9:
0x12c: {  	p1 =	sne.s32 s9, $0xFE00;
	v5 =	vadd.f32 $1.000000000e+00, v5;
	v9 =	vld [tilespmem:s8+$0x4870];
	(erf) = vrcp.f32 v7  }
0x12d: {  	v2 =	vadd.f32 $1.000000000e+00, v2;
	(erf) = vrcp.f32 v8  }
0x12e: {  	v3 =	vadd.f32 $1.000000000e+00, v3;
	(erf) = vrcp.f32 v5  }
0x12f: {  	v4 =	vadd.f32 $1.000000000e+00, v4;
	(erf) = vrcp.f32 v2  }
0x130: {  	v2 =	vadd.f32 $1.000000000e+00, v6;
	(erf) = vrcp.f32 v3  }
0x131: {  	v3 =	vadd.f32 $1.000000000e+00, v9;
	(erf) = vrcp.f32 v4  }
0x132: {  	(erf) = vrcp.f32 v2  }
0x133: {  	(erf) = vrcp.f32 v3;
	_ =	sdelay $0x1  }
0x134: {  	v2 =	vpop (erf)  }
0x135: {  	s10 =	sshra.s32 s9, $0x2;
	[tilespmem:s8+$0x4800] =	vst v2;
	v2 =	vpop (erf)  }
0x136: {  	v4 =	vld [tilespmem:s10+$0x4800];
	[tilespmem:s8+$0x4810] =	vst v2;
	v2 =	vpop (erf)  }
0x137: {  	v6 =	vld [tilespmem:s10+$0x4810];
	[tilespmem:s8+$0x4820] =	vst v2;
	v2 =	vpop (erf)  }
.Ltmp6:
0x138: {  	v5 =	vld [tilespmem:s10+$0x4820];
	[tilespmem:s8+$0x4830] =	vst v2;
	v3 =	vpop (erf);
	(pc) =	sbr.rel @p1 .LBB2_9-.Ltmp6, $4  }
0x139: {  	v2 =	vld [tilespmem:s10+$0x4830];
	[tilespmem:s8+$0x4840] =	vst v3;
	v7 =	vpop (erf)  }
0x13a: {  	v3 =	vld [tilespmem:s10+$0x4840];
	[tilespmem:s8+$0x4850] =	vst v7;
	v8 =	vpop (erf)  }
0x13b: {  	v7 =	vadd.f32 $1.000000000e+00, v4;
	v4 =	vld [tilespmem:s10+$0x4850];
	[tilespmem:s8+$0x4860] =	vst v8;
	v9 =	vpop (erf)  }
0x13c: {  	s9 =	sadd.s32 $0x200, s9;
	v8 =	vadd.f32 $1.000000000e+00, v6;
	v6 =	vld [tilespmem:s10+$0x4860];
	[tilespmem:s8+$0x4870] =	vst v9;
	s8 =	smov.u32 s10  }
0x13d: {  	v5 =	vadd.f32 $1.000000000e+00, v5;
	v9 =	vld [tilespmem:s8+$0x4870];
	(erf) = vrcp.f32 v7  }
0x13e: {  	v2 =	vadd.f32 $1.000000000e+00, v2;
	(erf) = vrcp.f32 v8  }
0x13f: {  	v3 =	vadd.f32 $1.000000000e+00, v3;
	(erf) = vrcp.f32 v5  }
0x140: {  	v4 =	vadd.f32 $1.000000000e+00, v4;
	(erf) = vrcp.f32 v2  }
0x141: {  	v2 =	vadd.f32 $1.000000000e+00, v6;
	(erf) = vrcp.f32 v3  }
0x142: {  	v3 =	vadd.f32 $1.000000000e+00, v9;
	(erf) = vrcp.f32 v4  }
0x143: {  	(erf) = vrcp.f32 v2  }
0x144: {  	(erf) = vrcp.f32 v3;
	_ =	sdelay $0x1  }
0x145: {  	v2 =	vpop (erf)  }
0x146: {  	[tilespmem:s8+$0x4800] =	vst v2;
	v2 =	vpop (erf)  }
0x147: {  	[tilespmem:s8+$0x4810] =	vst v2;
	v2 =	vpop (erf)  }
0x148: {  	[tilespmem:s8+$0x4820] =	vst v2;
	v2 =	vpop (erf)  }
0x149: {  	[tilespmem:s8+$0x4830] =	vst v2;
	v2 =	vpop (erf)  }
0x14a: {  	[tilespmem:s8+$0x4840] =	vst v2;
	v2 =	vpop (erf)  }
0x14b: {  	[tilespmem:s8+$0x4850] =	vst v2;
	v2 =	vpop (erf)  }
0x14c: {  	s7 =	sshll.u32 s7, $0x4;
	s1 =	sadd.s32 $0x1, s1;
	[tilespmem:s8+$0x4860] =	vst v2;
	v2 =	vpop (erf)  }
0x14d: {  	s7 =	sadd.s32 s2, s7;
	p1 =	sne.s32 s1, $0x5;
	[tilespmem:s8+$0x4870] =	vst v2  }
0x14e: {  	[hbm4b:s7+s4] =	stream.linear.scatter [tilespmem:s31], [sflag:$0x1], $0x4000, $0x38;
	[tilespmem:$0x1C800] =	vst v63  }
.Ltmp7:
0x14f: {  	_ = 	snop;
	(pc) =	sbr.rel @p1 .LBB2_8-.Ltmp7, $4  }
.Ltmp8:
0x150: {  	_ = 	snop;
	(pc) =	sbr.rel @!p1 .LBB2_11-.Ltmp8, $4  }
0x151: {  	_ =	swait.ge [sflag:s14], $0x4000  }
0x152: {  	[sflag:s14] =	ssyncset.done $0x0  }
0x153: {  	[sflag:s14] =	ssyncadd.s32 $0xFFFFC000  }
0x154: {  	_ = 	snop  }
.LBB2_12:
0x155: {  	_ =	sfence.sel $0x180000  }
0x156: {  	[bflag:$0x0] =	sbarrier.arrive $0xFFFF  }
0x157: {  	_ =	strace $0x90000047  }
0x158: {  	s0 =	stileid.u32;
	[bflag:$0x2] =	sbarrier.arrive $0xFFFF  }
0x159: {  	p0 =	sne.s32 s0, $0x0;
	s0 =	rddreg [dreg:$0x3]  }
0x15a: {  	s0 =	sadd.s32 @!p0 $0x100000, s0  }
0x15b: {  	[sflag:s0] =	ssyncadd.tile.s32 @!p0 $0x1;
	_ =	shalt  }
.Lfunc_end2:
_tile_overlayer_lowered:
.L_overlay_start_2:
0x15c: {  	(tag) =	ssettag $0x2  }
0x15d: {  	s0 =	rddreg [dreg:$0x0];
	s2 =	stileid.u32  }
0x15e: {  	s1 =	rddreg [dreg:$0x1];
	p0 =	sne.s32 s2, $0x0  }
0x15f: {  	s3 =	rddreg [dreg:$0x2];
	[bflag:$0x3] =	sbarrier.arrive $0xFFFF;
	s2 =	simm.s32 @!p0 $0x1C01  }
0x160: {  	[timem:s3], [sflag:s2] =	dma.local @!p0 [hbm:s0], s1  }
0x161: {  	s0 =	simm.s32 @!p0 $0x1  }
0x162: {  	_ =	swait.ge @!p0 [sflag:s0], s1  }
0x163: {  	s1 =	ssub.s32 @!p0 $0x0, s1;
	[sflag:s0] =	ssyncset.done @!p0 $0x0  }
0x164: {  	[sflag:s0] =	ssyncadd.s32 @!p0 s1  }
0x165: {  	[bflag:$0x3] =	sbarrier.arrive $0xFFFF  }
0x166: {  	_ =	shalt  }

</sc_bundles>
